<compile_context>
chip_gen: v7x
topology: tpu7x:2x2x1
jax: 0.10.2.dev20260603
libtpu: 0.0.44.dev20260713+nightly
codegen_flags: <defaults>
</compile_context>

<pallas_src>
import dataclasses

import jax
import jax.numpy as jnp
from jax import lax
from jax.experimental import pallas as pl
from jax.experimental.pallas import tpu as pltpu
from jax.experimental.pallas import tpu_sc as plsc

B = 128
P = 64
H = 512
W = 512
NC = 2
NS = 16
NW = NC * NS
BPW = B // NW
LANES = 16
NCHUNK = P // LANES
CW = W // NCHUNK


def _probe_body(x_hbm, px_hbm, py_hbm, out_hbm,
                px_v, py_v, idx_v, out_v,
                buf0, buf1, buf2, buf3, sem0, sem1, sem2, sem3, semx, semy):
    wid = lax.axis_index("s") * NC + lax.axis_index("c")
    b0 = wid * BPW
    cpx = pltpu.async_copy(px_hbm, px_v, semx)
    cpy = pltpu.async_copy(py_hbm, py_v, semy)
    cpx.wait()

    bufs = (buf0, buf1, buf2, buf3)
    sems = (sem0, sem1, sem2, sem3)

    copies = []
    for c in range(NCHUNK):
        sl = pl.ds(c * LANES, LANES)
        for t in range(BPW):
            idx_v[c, pl.ds(t * LANES, LANES)] = px_v[sl] + (b0 + t) * H
        copies.append(pltpu.async_copy(
            x_hbm.at[idx_v.at[c], pl.ds(c * CW, CW)], bufs[c], sems[c]))

    cpy.wait()
    rid = lax.iota(jnp.int32, LANES)
    for c in range(NCHUNK):
        copies[c].wait()
        sl = pl.ds(c * LANES, LANES)
        cid = py_v[sl] - (c * CW)
        for t in range(BPW):
            out_v[t, sl] = plsc.load_gather(bufs[c], [rid + t * LANES, cid])
    pltpu.sync_copy(out_v, out_hbm.at[pl.ds(b0, BPW)])


def kernel(x, probe_x, probe_y):
    x2 = x.reshape(B * H, W)
    mesh = plsc.VectorSubcoreMesh(core_axis_name="c", subcore_axis_name="s")
    cp = pltpu.CompilerParams()
    if "needs_layout_passes" in pltpu.CompilerParams.__dataclass_fields__:
        cp = dataclasses.replace(cp, needs_layout_passes=False)
    run = pl.kernel(
        _probe_body,
        out_type=jax.ShapeDtypeStruct((B, P), jnp.float32),
        mesh=mesh,
        scratch_types=[
            pltpu.VMEM((P,), jnp.int32),
            pltpu.VMEM((P,), jnp.int32),
            pltpu.VMEM((NCHUNK, BPW * LANES), jnp.int32),
            pltpu.VMEM((BPW, P), jnp.float32),
            pltpu.VMEM((BPW * LANES, CW), jnp.float32),
            pltpu.VMEM((BPW * LANES, CW), jnp.float32),
            pltpu.VMEM((BPW * LANES, CW), jnp.float32),
            pltpu.VMEM((BPW * LANES, CW), jnp.float32),
            pltpu.SemaphoreType.DMA,
            pltpu.SemaphoreType.DMA,
            pltpu.SemaphoreType.DMA,
            pltpu.SemaphoreType.DMA,
            pltpu.SemaphoreType.DMA,
            pltpu.SemaphoreType.DMA,
        ],
        compiler_params=cp,
    )
    return run(x2, probe_x, probe_y)

# --- scband reference (transcript-rebuilt; emitter-appended) ---
"""Pipeline reference for scband-wave-probe-21887153340821 (READ-ONLY COPY).

The authoritative reference and input builder live on the scoring server;
editing this copy changes nothing except your own understanding.
"""

import jax, jax.numpy as jnp
import numpy as np


def setup_inputs(seed: int = 0) -> dict:
    key = jax.random.key(seed)
    x = jax.random.normal(key, (128, 512, 512), dtype=jnp.float32)
    probe_x = jnp.array([8 * i for i in range(64)], dtype=jnp.int32)
    probe_y = jnp.array([8 * i + 4 for i in range(64)], dtype=jnp.int32)
    return {"x": x, "probe_x": probe_x, "probe_y": probe_y}


def reference(x, probe_x, probe_y):
    # WaveProbe.forward: gather probe values at fixed (x, y) grid locations
    # torch: x[:, self.x, self.y] -> advanced indexing gather of shape [B, P]
    return x[:, probe_x, probe_y]

if __name__ == "__main__":
    import jax
    _d = setup_inputs()
    print(jax.jit(kernel)(*tuple(_d.values())))

</pallas_src>

<mosaic_0001>
#map = affine_map<(d0, d1) -> (0, 0)>
#map1 = affine_map<(d0, d1) -> (0)>
module attributes {stable_mosaic.version = 14 : i64} {
  func.func @_probe_body(%arg0: i32, %arg1: i32, %arg2: memref<65536x512xf32, #tpu.memory_space<hbm>>, %arg3: memref<64xi32, #tpu.memory_space<hbm>>, %arg4: memref<64xi32, #tpu.memory_space<hbm>>, %arg5: memref<128x64xf32, #tpu.memory_space<hbm>>, %arg6: memref<64xi32, #tpu.memory_space<vmem>>, %arg7: memref<64xi32, #tpu.memory_space<vmem>>, %arg8: memref<4x64xi32, #tpu.memory_space<vmem>>, %arg9: memref<4x64xf32, #tpu.memory_space<vmem>>, %arg10: memref<64x128xf32, #tpu.memory_space<vmem>>, %arg11: memref<64x128xf32, #tpu.memory_space<vmem>>, %arg12: memref<64x128xf32, #tpu.memory_space<vmem>>, %arg13: memref<64x128xf32, #tpu.memory_space<vmem>>, %arg14: memref<!tpu.dma_semaphore, #tpu.memory_space<semaphore_mem>>, %arg15: memref<!tpu.dma_semaphore, #tpu.memory_space<semaphore_mem>>, %arg16: memref<!tpu.dma_semaphore, #tpu.memory_space<semaphore_mem>>, %arg17: memref<!tpu.dma_semaphore, #tpu.memory_space<semaphore_mem>>, %arg18: memref<!tpu.dma_semaphore, #tpu.memory_space<semaphore_mem>>, %arg19: memref<!tpu.dma_semaphore, #tpu.memory_space<semaphore_mem>>) attributes {dimension_semantics = [#tpu.dimension_semantics<core_parallel>, #tpu.dimension_semantics<subcore_parallel>], iteration_bounds = array<i64: 2, 16>, scalar_prefetch = 0 : i64, scratch_operands = 14 : i64, tpu.core_type = #tpu.core_type<sc_vector_subcore>, window_params = [{transform_indices = #map}, {transform_indices = #map1}, {transform_indices = #map1}, {transform_indices = #map}]} {
    %mul3A = arith.constant 2 : i32
    %mul3A_0 = arith.muli %arg1, %mul3A : i32
    %add3A = arith.addi %mul3A_0, %arg0 : i32
    %mul3A_1 = arith.constant 4 : i32
    %mul3A_2 = arith.muli %add3A, %mul3A_1 : i32
    tpu.enqueue_dma source(%arg3 : memref<64xi32, #tpu.memory_space<hbm>>) target(%arg6 : memref<64xi32, #tpu.memory_space<vmem>>) target_semaphore(%arg18 : memref<!tpu.dma_semaphore, #tpu.memory_space<semaphore_mem>>)
    tpu.enqueue_dma source(%arg4 : memref<64xi32, #tpu.memory_space<hbm>>) target(%arg7 : memref<64xi32, #tpu.memory_space<vmem>>) target_semaphore(%arg19 : memref<!tpu.dma_semaphore, #tpu.memory_space<semaphore_mem>>)
    tpu.wait_dma2 semaphore(%arg18 : memref<!tpu.dma_semaphore, #tpu.memory_space<semaphore_mem>>) src(%arg3 : memref<64xi32, #tpu.memory_space<hbm>>) dst(%arg6 : memref<64xi32, #tpu.memory_space<vmem>>)
    %get3A = arith.constant 0 : index
    %get3A_3 = tpu.vector_load %arg6[%get3A] {strides = array<i32>} : memref<64xi32, #tpu.memory_space<vmem>>, vector<16xi32>,
    %add3A_4 = arith.constant 0 : i32
    %add3A_5 = arith.addi %mul3A_2, %add3A_4 : i32
    %mul3A_6 = arith.constant 512 : i32
    %mul3A_7 = arith.muli %add3A_5, %mul3A_6 : i32
    %add3A_8 = vector.broadcast %mul3A_7 : i32 to vector<16xi32>
    %add3A_9 = arith.addi %get3A_3, %add3A_8 : vector<16xi32>
    %swap3A = arith.constant 0 : i32
    %swap3A_10 = arith.index_cast %swap3A : i32 to index
    %swap3A_11 = arith.constant 0 : index
    %swap3A_12 = tpu.vector_load %arg8[%swap3A_10, %swap3A_11] {strides = array<i32>} : memref<4x64xi32, #tpu.memory_space<vmem>>, vector<16xi32>,
    tpu.vector_store %arg8[%swap3A_10, %swap3A_11], %add3A_9 {strides = array<i32>} : memref<4x64xi32, #tpu.memory_space<vmem>>, vector<16xi32>,
    %get3A_13 = arith.constant 0 : index
    %get3A_14 = tpu.vector_load %arg6[%get3A_13] {strides = array<i32>} : memref<64xi32, #tpu.memory_space<vmem>>, vector<16xi32>,
    %add3A_15 = arith.constant 1 : i32
    %add3A_16 = arith.addi %mul3A_2, %add3A_15 : i32
    %mul3A_17 = arith.constant 512 : i32
    %mul3A_18 = arith.muli %add3A_16, %mul3A_17 : i32
    %add3A_19 = vector.broadcast %mul3A_18 : i32 to vector<16xi32>
    %add3A_20 = arith.addi %get3A_14, %add3A_19 : vector<16xi32>
    %swap3A_21 = arith.constant 0 : i32
    %swap3A_22 = arith.index_cast %swap3A_21 : i32 to index
    %swap3A_23 = arith.constant 16 : index
    %swap3A_24 = tpu.vector_load %arg8[%swap3A_22, %swap3A_23] {strides = array<i32>} : memref<4x64xi32, #tpu.memory_space<vmem>>, vector<16xi32>,
    tpu.vector_store %arg8[%swap3A_22, %swap3A_23], %add3A_20 {strides = array<i32>} : memref<4x64xi32, #tpu.memory_space<vmem>>, vector<16xi32>,
    %get3A_25 = arith.constant 0 : index
    %get3A_26 = tpu.vector_load %arg6[%get3A_25] {strides = array<i32>} : memref<64xi32, #tpu.memory_space<vmem>>, vector<16xi32>,
    %add3A_27 = arith.constant 2 : i32
    %add3A_28 = arith.addi %mul3A_2, %add3A_27 : i32
    %mul3A_29 = arith.constant 512 : i32
    %mul3A_30 = arith.muli %add3A_28, %mul3A_29 : i32
    %add3A_31 = vector.broadcast %mul3A_30 : i32 to vector<16xi32>
    %add3A_32 = arith.addi %get3A_26, %add3A_31 : vector<16xi32>
    %swap3A_33 = arith.constant 0 : i32
    %swap3A_34 = arith.index_cast %swap3A_33 : i32 to index
    %swap3A_35 = arith.constant 32 : index
    %swap3A_36 = tpu.vector_load %arg8[%swap3A_34, %swap3A_35] {strides = array<i32>} : memref<4x64xi32, #tpu.memory_space<vmem>>, vector<16xi32>,
    tpu.vector_store %arg8[%swap3A_34, %swap3A_35], %add3A_32 {strides = array<i32>} : memref<4x64xi32, #tpu.memory_space<vmem>>, vector<16xi32>,
    %get3A_37 = arith.constant 0 : index
    %get3A_38 = tpu.vector_load %arg6[%get3A_37] {strides = array<i32>} : memref<64xi32, #tpu.memory_space<vmem>>, vector<16xi32>,
    %add3A_39 = arith.constant 3 : i32
    %add3A_40 = arith.addi %mul3A_2, %add3A_39 : i32
    %mul3A_41 = arith.constant 512 : i32
    %mul3A_42 = arith.muli %add3A_40, %mul3A_41 : i32
    %add3A_43 = vector.broadcast %mul3A_42 : i32 to vector<16xi32>
    %add3A_44 = arith.addi %get3A_38, %add3A_43 : vector<16xi32>
    %swap3A_45 = arith.constant 0 : i32
    %swap3A_46 = arith.index_cast %swap3A_45 : i32 to index
    %swap3A_47 = arith.constant 48 : index
    %swap3A_48 = tpu.vector_load %arg8[%swap3A_46, %swap3A_47] {strides = array<i32>} : memref<4x64xi32, #tpu.memory_space<vmem>>, vector<16xi32>,
    tpu.vector_store %arg8[%swap3A_46, %swap3A_47], %add3A_44 {strides = array<i32>} : memref<4x64xi32, #tpu.memory_space<vmem>>, vector<16xi32>,
    %dma_start3A = arith.constant 0 : i32
    %dma_start3A_49 = arith.constant 0 : i32
    %dma_start3A_50 = tpu.memref_slice %arg8[%dma_start3A, %dma_start3A_49] : memref<4x64xi32, #tpu.memory_space<vmem>> -> memref<1x64xi32, #tpu.memory_space<vmem>>
    %dma_start3A_51 = tpu.memref_squeeze %dma_start3A_50 : memref<1x64xi32, #tpu.memory_space<vmem>> -> memref<64xi32, #tpu.memory_space<vmem>>
    %dma_start3A_52 = arith.constant 0 : i32
    %dma_start3A_53 = arith.constant 0 : i32
    %dma_start3A_54 = tpu.memref_slice %arg2[%dma_start3A_52, %dma_start3A_53] : memref<65536x512xf32, #tpu.memory_space<hbm>> -> memref<65536x128xf32, #tpu.memory_space<hbm>>
    tpu.enqueue_indirect_dma source(%dma_start3A_54 : memref<65536x128xf32, #tpu.memory_space<hbm>>) target(%arg10 : memref<64x128xf32, #tpu.memory_space<vmem>>) offsets(%dma_start3A_51 : memref<64xi32, #tpu.memory_space<vmem>>) semaphore(%arg14 : memref<!tpu.dma_semaphore, #tpu.memory_space<semaphore_mem>>)
    %get3A_55 = arith.constant 16 : index
    %get3A_56 = tpu.vector_load %arg6[%get3A_55] {strides = array<i32>} : memref<64xi32, #tpu.memory_space<vmem>>, vector<16xi32>,
    %add3A_57 = arith.constant 0 : i32
    %add3A_58 = arith.addi %mul3A_2, %add3A_57 : i32
    %mul3A_59 = arith.constant 512 : i32
    %mul3A_60 = arith.muli %add3A_58, %mul3A_59 : i32
    %add3A_61 = vector.broadcast %mul3A_60 : i32 to vector<16xi32>
    %add3A_62 = arith.addi %get3A_56, %add3A_61 : vector<16xi32>
    %swap3A_63 = arith.constant 1 : i32
    %swap3A_64 = arith.index_cast %swap3A_63 : i32 to index
    %swap3A_65 = arith.constant 0 : index
    %swap3A_66 = tpu.vector_load %arg8[%swap3A_64, %swap3A_65] {strides = array<i32>} : memref<4x64xi32, #tpu.memory_space<vmem>>, vector<16xi32>,
    tpu.vector_store %arg8[%swap3A_64, %swap3A_65], %add3A_62 {strides = array<i32>} : memref<4x64xi32, #tpu.memory_space<vmem>>, vector<16xi32>,
    %get3A_67 = arith.constant 16 : index
    %get3A_68 = tpu.vector_load %arg6[%get3A_67] {strides = array<i32>} : memref<64xi32, #tpu.memory_space<vmem>>, vector<16xi32>,
    %add3A_69 = arith.constant 1 : i32
    %add3A_70 = arith.addi %mul3A_2, %add3A_69 : i32
    %mul3A_71 = arith.constant 512 : i32
    %mul3A_72 = arith.muli %add3A_70, %mul3A_71 : i32
    %add3A_73 = vector.broadcast %mul3A_72 : i32 to vector<16xi32>
    %add3A_74 = arith.addi %get3A_68, %add3A_73 : vector<16xi32>
    %swap3A_75 = arith.constant 1 : i32
    %swap3A_76 = arith.index_cast %swap3A_75 : i32 to index
    %swap3A_77 = arith.constant 16 : index
    %swap3A_78 = tpu.vector_load %arg8[%swap3A_76, %swap3A_77] {strides = array<i32>} : memref<4x64xi32, #tpu.memory_space<vmem>>, vector<16xi32>,
    tpu.vector_store %arg8[%swap3A_76, %swap3A_77], %add3A_74 {strides = array<i32>} : memref<4x64xi32, #tpu.memory_space<vmem>>, vector<16xi32>,
    %get3A_79 = arith.constant 16 : index
    %get3A_80 = tpu.vector_load %arg6[%get3A_79] {strides = array<i32>} : memref<64xi32, #tpu.memory_space<vmem>>, vector<16xi32>,
    %add3A_81 = arith.constant 2 : i32
    %add3A_82 = arith.addi %mul3A_2, %add3A_81 : i32
    %mul3A_83 = arith.constant 512 : i32
    %mul3A_84 = arith.muli %add3A_82, %mul3A_83 : i32
    %add3A_85 = vector.broadcast %mul3A_84 : i32 to vector<16xi32>
    %add3A_86 = arith.addi %get3A_80, %add3A_85 : vector<16xi32>
    %swap3A_87 = arith.constant 1 : i32
    %swap3A_88 = arith.index_cast %swap3A_87 : i32 to index
    %swap3A_89 = arith.constant 32 : index
    %swap3A_90 = tpu.vector_load %arg8[%swap3A_88, %swap3A_89] {strides = array<i32>} : memref<4x64xi32, #tpu.memory_space<vmem>>, vector<16xi32>,
    tpu.vector_store %arg8[%swap3A_88, %swap3A_89], %add3A_86 {strides = array<i32>} : memref<4x64xi32, #tpu.memory_space<vmem>>, vector<16xi32>,
    %get3A_91 = arith.constant 16 : index
    %get3A_92 = tpu.vector_load %arg6[%get3A_91] {strides = array<i32>} : memref<64xi32, #tpu.memory_space<vmem>>, vector<16xi32>,
    %add3A_93 = arith.constant 3 : i32
    %add3A_94 = arith.addi %mul3A_2, %add3A_93 : i32
    %mul3A_95 = arith.constant 512 : i32
    %mul3A_96 = arith.muli %add3A_94, %mul3A_95 : i32
    %add3A_97 = vector.broadcast %mul3A_96 : i32 to vector<16xi32>
    %add3A_98 = arith.addi %get3A_92, %add3A_97 : vector<16xi32>
    %swap3A_99 = arith.constant 1 : i32
    %swap3A_100 = arith.index_cast %swap3A_99 : i32 to index
    %swap3A_101 = arith.constant 48 : index
    %swap3A_102 = tpu.vector_load %arg8[%swap3A_100, %swap3A_101] {strides = array<i32>} : memref<4x64xi32, #tpu.memory_space<vmem>>, vector<16xi32>,
    tpu.vector_store %arg8[%swap3A_100, %swap3A_101], %add3A_98 {strides = array<i32>} : memref<4x64xi32, #tpu.memory_space<vmem>>, vector<16xi32>,
    %dma_start3A_103 = arith.constant 1 : i32
    %dma_start3A_104 = arith.constant 0 : i32
    %dma_start3A_105 = tpu.memref_slice %arg8[%dma_start3A_103, %dma_start3A_104] : memref<4x64xi32, #tpu.memory_space<vmem>> -> memref<1x64xi32, #tpu.memory_space<vmem>>
    %dma_start3A_106 = tpu.memref_squeeze %dma_start3A_105 : memref<1x64xi32, #tpu.memory_space<vmem>> -> memref<64xi32, #tpu.memory_space<vmem>>
    %dma_start3A_107 = arith.constant 0 : i32
    %dma_start3A_108 = arith.constant 128 : i32
    %dma_start3A_109 = tpu.memref_slice %arg2[%dma_start3A_107, %dma_start3A_108] : memref<65536x512xf32, #tpu.memory_space<hbm>> -> memref<65536x128xf32, #tpu.memory_space<hbm>>
    tpu.enqueue_indirect_dma source(%dma_start3A_109 : memref<65536x128xf32, #tpu.memory_space<hbm>>) target(%arg11 : memref<64x128xf32, #tpu.memory_space<vmem>>) offsets(%dma_start3A_106 : memref<64xi32, #tpu.memory_space<vmem>>) semaphore(%arg15 : memref<!tpu.dma_semaphore, #tpu.memory_space<semaphore_mem>>)
    %get3A_110 = arith.constant 32 : index
    %get3A_111 = tpu.vector_load %arg6[%get3A_110] {strides = array<i32>} : memref<64xi32, #tpu.memory_space<vmem>>, vector<16xi32>,
    %add3A_112 = arith.constant 0 : i32
    %add3A_113 = arith.addi %mul3A_2, %add3A_112 : i32
    %mul3A_114 = arith.constant 512 : i32
    %mul3A_115 = arith.muli %add3A_113, %mul3A_114 : i32
    %add3A_116 = vector.broadcast %mul3A_115 : i32 to vector<16xi32>
    %add3A_117 = arith.addi %get3A_111, %add3A_116 : vector<16xi32>
    %swap3A_118 = arith.constant 2 : i32
    %swap3A_119 = arith.index_cast %swap3A_118 : i32 to index
    %swap3A_120 = arith.constant 0 : index
    %swap3A_121 = tpu.vector_load %arg8[%swap3A_119, %swap3A_120] {strides = array<i32>} : memref<4x64xi32, #tpu.memory_space<vmem>>, vector<16xi32>,
    tpu.vector_store %arg8[%swap3A_119, %swap3A_120], %add3A_117 {strides = array<i32>} : memref<4x64xi32, #tpu.memory_space<vmem>>, vector<16xi32>,
    %get3A_122 = arith.constant 32 : index
    %get3A_123 = tpu.vector_load %arg6[%get3A_122] {strides = array<i32>} : memref<64xi32, #tpu.memory_space<vmem>>, vector<16xi32>,
    %add3A_124 = arith.constant 1 : i32
    %add3A_125 = arith.addi %mul3A_2, %add3A_124 : i32
    %mul3A_126 = arith.constant 512 : i32
    %mul3A_127 = arith.muli %add3A_125, %mul3A_126 : i32
    %add3A_128 = vector.broadcast %mul3A_127 : i32 to vector<16xi32>
    %add3A_129 = arith.addi %get3A_123, %add3A_128 : vector<16xi32>
    %swap3A_130 = arith.constant 2 : i32
    %swap3A_131 = arith.index_cast %swap3A_130 : i32 to index
    %swap3A_132 = arith.constant 16 : index
    %swap3A_133 = tpu.vector_load %arg8[%swap3A_131, %swap3A_132] {strides = array<i32>} : memref<4x64xi32, #tpu.memory_space<vmem>>, vector<16xi32>,
    tpu.vector_store %arg8[%swap3A_131, %swap3A_132], %add3A_129 {strides = array<i32>} : memref<4x64xi32, #tpu.memory_space<vmem>>, vector<16xi32>,
    %get3A_134 = arith.constant 32 : index
    %get3A_135 = tpu.vector_load %arg6[%get3A_134] {strides = array<i32>} : memref<64xi32, #tpu.memory_space<vmem>>, vector<16xi32>,
    %add3A_136 = arith.constant 2 : i32
    %add3A_137 = arith.addi %mul3A_2, %add3A_136 : i32
    %mul3A_138 = arith.constant 512 : i32
    %mul3A_139 = arith.muli %add3A_137, %mul3A_138 : i32
    %add3A_140 = vector.broadcast %mul3A_139 : i32 to vector<16xi32>
    %add3A_141 = arith.addi %get3A_135, %add3A_140 : vector<16xi32>
    %swap3A_142 = arith.constant 2 : i32
    %swap3A_143 = arith.index_cast %swap3A_142 : i32 to index
    %swap3A_144 = arith.constant 32 : index
    %swap3A_145 = tpu.vector_load %arg8[%swap3A_143, %swap3A_144] {strides = array<i32>} : memref<4x64xi32, #tpu.memory_space<vmem>>, vector<16xi32>,
    tpu.vector_store %arg8[%swap3A_143, %swap3A_144], %add3A_141 {strides = array<i32>} : memref<4x64xi32, #tpu.memory_space<vmem>>, vector<16xi32>,
    %get3A_146 = arith.constant 32 : index
    %get3A_147 = tpu.vector_load %arg6[%get3A_146] {strides = array<i32>} : memref<64xi32, #tpu.memory_space<vmem>>, vector<16xi32>,
    %add3A_148 = arith.constant 3 : i32
    %add3A_149 = arith.addi %mul3A_2, %add3A_148 : i32
    %mul3A_150 = arith.constant 512 : i32
    %mul3A_151 = arith.muli %add3A_149, %mul3A_150 : i32
    %add3A_152 = vector.broadcast %mul3A_151 : i32 to vector<16xi32>
    %add3A_153 = arith.addi %get3A_147, %add3A_152 : vector<16xi32>
    %swap3A_154 = arith.constant 2 : i32
    %swap3A_155 = arith.index_cast %swap3A_154 : i32 to index
    %swap3A_156 = arith.constant 48 : index
    %swap3A_157 = tpu.vector_load %arg8[%swap3A_155, %swap3A_156] {strides = array<i32>} : memref<4x64xi32, #tpu.memory_space<vmem>>, vector<16xi32>,
    tpu.vector_store %arg8[%swap3A_155, %swap3A_156], %add3A_153 {strides = array<i32>} : memref<4x64xi32, #tpu.memory_space<vmem>>, vector<16xi32>,
    %dma_start3A_158 = arith.constant 2 : i32
    %dma_start3A_159 = arith.constant 0 : i32
    %dma_start3A_160 = tpu.memref_slice %arg8[%dma_start3A_158, %dma_start3A_159] : memref<4x64xi32, #tpu.memory_space<vmem>> -> memref<1x64xi32, #tpu.memory_space<vmem>>
    %dma_start3A_161 = tpu.memref_squeeze %dma_start3A_160 : memref<1x64xi32, #tpu.memory_space<vmem>> -> memref<64xi32, #tpu.memory_space<vmem>>
    %dma_start3A_162 = arith.constant 0 : i32
    %dma_start3A_163 = arith.constant 256 : i32
    %dma_start3A_164 = tpu.memref_slice %arg2[%dma_start3A_162, %dma_start3A_163] : memref<65536x512xf32, #tpu.memory_space<hbm>> -> memref<65536x128xf32, #tpu.memory_space<hbm>>
    tpu.enqueue_indirect_dma source(%dma_start3A_164 : memref<65536x128xf32, #tpu.memory_space<hbm>>) target(%arg12 : memref<64x128xf32, #tpu.memory_space<vmem>>) offsets(%dma_start3A_161 : memref<64xi32, #tpu.memory_space<vmem>>) semaphore(%arg16 : memref<!tpu.dma_semaphore, #tpu.memory_space<semaphore_mem>>)
    %get3A_165 = arith.constant 48 : index
    %get3A_166 = tpu.vector_load %arg6[%get3A_165] {strides = array<i32>} : memref<64xi32, #tpu.memory_space<vmem>>, vector<16xi32>,
    %add3A_167 = arith.constant 0 : i32
    %add3A_168 = arith.addi %mul3A_2, %add3A_167 : i32
    %mul3A_169 = arith.constant 512 : i32
    %mul3A_170 = arith.muli %add3A_168, %mul3A_169 : i32
    %add3A_171 = vector.broadcast %mul3A_170 : i32 to vector<16xi32>
    %add3A_172 = arith.addi %get3A_166, %add3A_171 : vector<16xi32>
    %swap3A_173 = arith.constant 3 : i32
    %swap3A_174 = arith.index_cast %swap3A_173 : i32 to index
    %swap3A_175 = arith.constant 0 : index
    %swap3A_176 = tpu.vector_load %arg8[%swap3A_174, %swap3A_175] {strides = array<i32>} : memref<4x64xi32, #tpu.memory_space<vmem>>, vector<16xi32>,
    tpu.vector_store %arg8[%swap3A_174, %swap3A_175], %add3A_172 {strides = array<i32>} : memref<4x64xi32, #tpu.memory_space<vmem>>, vector<16xi32>,
    %get3A_177 = arith.constant 48 : index
    %get3A_178 = tpu.vector_load %arg6[%get3A_177] {strides = array<i32>} : memref<64xi32, #tpu.memory_space<vmem>>, vector<16xi32>,
    %add3A_179 = arith.constant 1 : i32
    %add3A_180 = arith.addi %mul3A_2, %add3A_179 : i32
    %mul3A_181 = arith.constant 512 : i32
    %mul3A_182 = arith.muli %add3A_180, %mul3A_181 : i32
    %add3A_183 = vector.broadcast %mul3A_182 : i32 to vector<16xi32>
    %add3A_184 = arith.addi %get3A_178, %add3A_183 : vector<16xi32>
    %swap3A_185 = arith.constant 3 : i32
    %swap3A_186 = arith.index_cast %swap3A_185 : i32 to index
    %swap3A_187 = arith.constant 16 : index
    %swap3A_188 = tpu.vector_load %arg8[%swap3A_186, %swap3A_187] {strides = array<i32>} : memref<4x64xi32, #tpu.memory_space<vmem>>, vector<16xi32>,
    tpu.vector_store %arg8[%swap3A_186, %swap3A_187], %add3A_184 {strides = array<i32>} : memref<4x64xi32, #tpu.memory_space<vmem>>, vector<16xi32>,
    %get3A_189 = arith.constant 48 : index
    %get3A_190 = tpu.vector_load %arg6[%get3A_189] {strides = array<i32>} : memref<64xi32, #tpu.memory_space<vmem>>, vector<16xi32>,
    %add3A_191 = arith.constant 2 : i32
    %add3A_192 = arith.addi %mul3A_2, %add3A_191 : i32
    %mul3A_193 = arith.constant 512 : i32
    %mul3A_194 = arith.muli %add3A_192, %mul3A_193 : i32
    %add3A_195 = vector.broadcast %mul3A_194 : i32 to vector<16xi32>
    %add3A_196 = arith.addi %get3A_190, %add3A_195 : vector<16xi32>
    %swap3A_197 = arith.constant 3 : i32
    %swap3A_198 = arith.index_cast %swap3A_197 : i32 to index
    %swap3A_199 = arith.constant 32 : index
    %swap3A_200 = tpu.vector_load %arg8[%swap3A_198, %swap3A_199] {strides = array<i32>} : memref<4x64xi32, #tpu.memory_space<vmem>>, vector<16xi32>,
    tpu.vector_store %arg8[%swap3A_198, %swap3A_199], %add3A_196 {strides = array<i32>} : memref<4x64xi32, #tpu.memory_space<vmem>>, vector<16xi32>,
    %get3A_201 = arith.constant 48 : index
    %get3A_202 = tpu.vector_load %arg6[%get3A_201] {strides = array<i32>} : memref<64xi32, #tpu.memory_space<vmem>>, vector<16xi32>,
    %add3A_203 = arith.constant 3 : i32
    %add3A_204 = arith.addi %mul3A_2, %add3A_203 : i32
    %mul3A_205 = arith.constant 512 : i32
    %mul3A_206 = arith.muli %add3A_204, %mul3A_205 : i32
    %add3A_207 = vector.broadcast %mul3A_206 : i32 to vector<16xi32>
    %add3A_208 = arith.addi %get3A_202, %add3A_207 : vector<16xi32>
    %swap3A_209 = arith.constant 3 : i32
    %swap3A_210 = arith.index_cast %swap3A_209 : i32 to index
    %swap3A_211 = arith.constant 48 : index
    %swap3A_212 = tpu.vector_load %arg8[%swap3A_210, %swap3A_211] {strides = array<i32>} : memref<4x64xi32, #tpu.memory_space<vmem>>, vector<16xi32>,
    tpu.vector_store %arg8[%swap3A_210, %swap3A_211], %add3A_208 {strides = array<i32>} : memref<4x64xi32, #tpu.memory_space<vmem>>, vector<16xi32>,
    %dma_start3A_213 = arith.constant 3 : i32
    %dma_start3A_214 = arith.constant 0 : i32
    %dma_start3A_215 = tpu.memref_slice %arg8[%dma_start3A_213, %dma_start3A_214] : memref<4x64xi32, #tpu.memory_space<vmem>> -> memref<1x64xi32, #tpu.memory_space<vmem>>
    %dma_start3A_216 = tpu.memref_squeeze %dma_start3A_215 : memref<1x64xi32, #tpu.memory_space<vmem>> -> memref<64xi32, #tpu.memory_space<vmem>>
    %dma_start3A_217 = arith.constant 0 : i32
    %dma_start3A_218 = arith.constant 384 : i32
    %dma_start3A_219 = tpu.memref_slice %arg2[%dma_start3A_217, %dma_start3A_218] : memref<65536x512xf32, #tpu.memory_space<hbm>> -> memref<65536x128xf32, #tpu.memory_space<hbm>>
    tpu.enqueue_indirect_dma source(%dma_start3A_219 : memref<65536x128xf32, #tpu.memory_space<hbm>>) target(%arg13 : memref<64x128xf32, #tpu.memory_space<vmem>>) offsets(%dma_start3A_216 : memref<64xi32, #tpu.memory_space<vmem>>) semaphore(%arg17 : memref<!tpu.dma_semaphore, #tpu.memory_space<semaphore_mem>>)
    tpu.wait_dma2 semaphore(%arg19 : memref<!tpu.dma_semaphore, #tpu.memory_space<semaphore_mem>>) src(%arg4 : memref<64xi32, #tpu.memory_space<hbm>>) dst(%arg7 : memref<64xi32, #tpu.memory_space<vmem>>)
    %iota3A = tpu.iota {dimensions = array<i32: 0>} : vector<16xi32>
    %dma_wait3A = arith.constant 0 : i32
    %dma_wait3A_220 = arith.constant 0 : i32
    %dma_wait3A_221 = tpu.memref_slice %arg8[%dma_wait3A, %dma_wait3A_220] : memref<4x64xi32, #tpu.memory_space<vmem>> -> memref<1x64xi32, #tpu.memory_space<vmem>>
    %dma_wait3A_222 = tpu.memref_squeeze %dma_wait3A_221 : memref<1x64xi32, #tpu.memory_space<vmem>> -> memref<64xi32, #tpu.memory_space<vmem>>
    %dma_wait3A_223 = arith.constant 0 : i32
    %dma_wait3A_224 = arith.constant 0 : i32
    %dma_wait3A_225 = tpu.memref_slice %arg2[%dma_wait3A_223, %dma_wait3A_224] : memref<65536x512xf32, #tpu.memory_space<hbm>> -> memref<65536x128xf32, #tpu.memory_space<hbm>>
    tpu.wait_indirect_dma semaphore(%arg14 : memref<!tpu.dma_semaphore, #tpu.memory_space<semaphore_mem>>) src(%dma_wait3A_225 : memref<65536x128xf32, #tpu.memory_space<hbm>>) dst(%arg10 : memref<64x128xf32, #tpu.memory_space<vmem>>)
    %get3A_226 = arith.constant 0 : index
    %get3A_227 = tpu.vector_load %arg7[%get3A_226] {strides = array<i32>} : memref<64xi32, #tpu.memory_space<vmem>>, vector<16xi32>,
    %sub3A = arith.constant 0 : i32
    %sub3A_228 = vector.broadcast %sub3A : i32 to vector<16xi32>
    %sub3A_229 = arith.subi %get3A_227, %sub3A_228 : vector<16xi32>
    %add3A_230 = arith.constant 0 : i32
    %add3A_231 = vector.broadcast %add3A_230 : i32 to vector<16xi32>
    %add3A_232 = arith.addi %iota3A, %add3A_231 : vector<16xi32>
    %gather3A = tpu.vector_load_idx %arg10[%add3A_232, %sub3A_229] : memref<64x128xf32, #tpu.memory_space<vmem>>[vector<16xi32>, vector<16xi32>], vector<16xf32>,
    %swap3A_233 = arith.constant 0 : i32
    %swap3A_234 = arith.index_cast %swap3A_233 : i32 to index
    %swap3A_235 = arith.constant 0 : index
    %swap3A_236 = tpu.vector_load %arg9[%swap3A_234, %swap3A_235] {strides = array<i32>} : memref<4x64xf32, #tpu.memory_space<vmem>>, vector<16xf32>,
    tpu.vector_store %arg9[%swap3A_234, %swap3A_235], %gather3A {strides = array<i32>} : memref<4x64xf32, #tpu.memory_space<vmem>>, vector<16xf32>,
    %add3A_237 = arith.constant 16 : i32
    %add3A_238 = vector.broadcast %add3A_237 : i32 to vector<16xi32>
    %add3A_239 = arith.addi %iota3A, %add3A_238 : vector<16xi32>
    %gather3A_240 = tpu.vector_load_idx %arg10[%add3A_239, %sub3A_229] : memref<64x128xf32, #tpu.memory_space<vmem>>[vector<16xi32>, vector<16xi32>], vector<16xf32>,
    %swap3A_241 = arith.constant 1 : i32
    %swap3A_242 = arith.index_cast %swap3A_241 : i32 to index
    %swap3A_243 = arith.constant 0 : index
    %swap3A_244 = tpu.vector_load %arg9[%swap3A_242, %swap3A_243] {strides = array<i32>} : memref<4x64xf32, #tpu.memory_space<vmem>>, vector<16xf32>,
    tpu.vector_store %arg9[%swap3A_242, %swap3A_243], %gather3A_240 {strides = array<i32>} : memref<4x64xf32, #tpu.memory_space<vmem>>, vector<16xf32>,
    %add3A_245 = arith.constant 32 : i32
    %add3A_246 = vector.broadcast %add3A_245 : i32 to vector<16xi32>
    %add3A_247 = arith.addi %iota3A, %add3A_246 : vector<16xi32>
    %gather3A_248 = tpu.vector_load_idx %arg10[%add3A_247, %sub3A_229] : memref<64x128xf32, #tpu.memory_space<vmem>>[vector<16xi32>, vector<16xi32>], vector<16xf32>,
    %swap3A_249 = arith.constant 2 : i32
    %swap3A_250 = arith.index_cast %swap3A_249 : i32 to index
    %swap3A_251 = arith.constant 0 : index
    %swap3A_252 = tpu.vector_load %arg9[%swap3A_250, %swap3A_251] {strides = array<i32>} : memref<4x64xf32, #tpu.memory_space<vmem>>, vector<16xf32>,
    tpu.vector_store %arg9[%swap3A_250, %swap3A_251], %gather3A_248 {strides = array<i32>} : memref<4x64xf32, #tpu.memory_space<vmem>>, vector<16xf32>,
    %add3A_253 = arith.constant 48 : i32
    %add3A_254 = vector.broadcast %add3A_253 : i32 to vector<16xi32>
    %add3A_255 = arith.addi %iota3A, %add3A_254 : vector<16xi32>
    %gather3A_256 = tpu.vector_load_idx %arg10[%add3A_255, %sub3A_229] : memref<64x128xf32, #tpu.memory_space<vmem>>[vector<16xi32>, vector<16xi32>], vector<16xf32>,
    %swap3A_257 = arith.constant 3 : i32
    %swap3A_258 = arith.index_cast %swap3A_257 : i32 to index
    %swap3A_259 = arith.constant 0 : index
    %swap3A_260 = tpu.vector_load %arg9[%swap3A_258, %swap3A_259] {strides = array<i32>} : memref<4x64xf32, #tpu.memory_space<vmem>>, vector<16xf32>,
    tpu.vector_store %arg9[%swap3A_258, %swap3A_259], %gather3A_256 {strides = array<i32>} : memref<4x64xf32, #tpu.memory_space<vmem>>, vector<16xf32>,
    %dma_wait3A_261 = arith.constant 1 : i32
    %dma_wait3A_262 = arith.constant 0 : i32
    %dma_wait3A_263 = tpu.memref_slice %arg8[%dma_wait3A_261, %dma_wait3A_262] : memref<4x64xi32, #tpu.memory_space<vmem>> -> memref<1x64xi32, #tpu.memory_space<vmem>>
    %dma_wait3A_264 = tpu.memref_squeeze %dma_wait3A_263 : memref<1x64xi32, #tpu.memory_space<vmem>> -> memref<64xi32, #tpu.memory_space<vmem>>
    %dma_wait3A_265 = arith.constant 0 : i32
    %dma_wait3A_266 = arith.constant 128 : i32
    %dma_wait3A_267 = tpu.memref_slice %arg2[%dma_wait3A_265, %dma_wait3A_266] : memref<65536x512xf32, #tpu.memory_space<hbm>> -> memref<65536x128xf32, #tpu.memory_space<hbm>>
    tpu.wait_indirect_dma semaphore(%arg15 : memref<!tpu.dma_semaphore, #tpu.memory_space<semaphore_mem>>) src(%dma_wait3A_267 : memref<65536x128xf32, #tpu.memory_space<hbm>>) dst(%arg11 : memref<64x128xf32, #tpu.memory_space<vmem>>)
    %get3A_268 = arith.constant 16 : index
    %get3A_269 = tpu.vector_load %arg7[%get3A_268] {strides = array<i32>} : memref<64xi32, #tpu.memory_space<vmem>>, vector<16xi32>,
    %sub3A_270 = arith.constant 128 : i32
    %sub3A_271 = vector.broadcast %sub3A_270 : i32 to vector<16xi32>
    %sub3A_272 = arith.subi %get3A_269, %sub3A_271 : vector<16xi32>
    %add3A_273 = arith.constant 0 : i32
    %add3A_274 = vector.broadcast %add3A_273 : i32 to vector<16xi32>
    %add3A_275 = arith.addi %iota3A, %add3A_274 : vector<16xi32>
    %gather3A_276 = tpu.vector_load_idx %arg11[%add3A_275, %sub3A_272] : memref<64x128xf32, #tpu.memory_space<vmem>>[vector<16xi32>, vector<16xi32>], vector<16xf32>,
    %swap3A_277 = arith.constant 0 : i32
    %swap3A_278 = arith.index_cast %swap3A_277 : i32 to index
    %swap3A_279 = arith.constant 16 : index
    %swap3A_280 = tpu.vector_load %arg9[%swap3A_278, %swap3A_279] {strides = array<i32>} : memref<4x64xf32, #tpu.memory_space<vmem>>, vector<16xf32>,
    tpu.vector_store %arg9[%swap3A_278, %swap3A_279], %gather3A_276 {strides = array<i32>} : memref<4x64xf32, #tpu.memory_space<vmem>>, vector<16xf32>,
    %add3A_281 = arith.constant 16 : i32
    %add3A_282 = vector.broadcast %add3A_281 : i32 to vector<16xi32>
    %add3A_283 = arith.addi %iota3A, %add3A_282 : vector<16xi32>
    %gather3A_284 = tpu.vector_load_idx %arg11[%add3A_283, %sub3A_272] : memref<64x128xf32, #tpu.memory_space<vmem>>[vector<16xi32>, vector<16xi32>], vector<16xf32>,
    %swap3A_285 = arith.constant 1 : i32
    %swap3A_286 = arith.index_cast %swap3A_285 : i32 to index
    %swap3A_287 = arith.constant 16 : index
    %swap3A_288 = tpu.vector_load %arg9[%swap3A_286, %swap3A_287] {strides = array<i32>} : memref<4x64xf32, #tpu.memory_space<vmem>>, vector<16xf32>,
    tpu.vector_store %arg9[%swap3A_286, %swap3A_287], %gather3A_284 {strides = array<i32>} : memref<4x64xf32, #tpu.memory_space<vmem>>, vector<16xf32>,
    %add3A_289 = arith.constant 32 : i32
    %add3A_290 = vector.broadcast %add3A_289 : i32 to vector<16xi32>
    %add3A_291 = arith.addi %iota3A, %add3A_290 : vector<16xi32>
    %gather3A_292 = tpu.vector_load_idx %arg11[%add3A_291, %sub3A_272] : memref<64x128xf32, #tpu.memory_space<vmem>>[vector<16xi32>, vector<16xi32>], vector<16xf32>,
    %swap3A_293 = arith.constant 2 : i32
    %swap3A_294 = arith.index_cast %swap3A_293 : i32 to index
    %swap3A_295 = arith.constant 16 : index
    %swap3A_296 = tpu.vector_load %arg9[%swap3A_294, %swap3A_295] {strides = array<i32>} : memref<4x64xf32, #tpu.memory_space<vmem>>, vector<16xf32>,
    tpu.vector_store %arg9[%swap3A_294, %swap3A_295], %gather3A_292 {strides = array<i32>} : memref<4x64xf32, #tpu.memory_space<vmem>>, vector<16xf32>,
    %add3A_297 = arith.constant 48 : i32
    %add3A_298 = vector.broadcast %add3A_297 : i32 to vector<16xi32>
    %add3A_299 = arith.addi %iota3A, %add3A_298 : vector<16xi32>
    %gather3A_300 = tpu.vector_load_idx %arg11[%add3A_299, %sub3A_272] : memref<64x128xf32, #tpu.memory_space<vmem>>[vector<16xi32>, vector<16xi32>], vector<16xf32>,
    %swap3A_301 = arith.constant 3 : i32
    %swap3A_302 = arith.index_cast %swap3A_301 : i32 to index
    %swap3A_303 = arith.constant 16 : index
    %swap3A_304 = tpu.vector_load %arg9[%swap3A_302, %swap3A_303] {strides = array<i32>} : memref<4x64xf32, #tpu.memory_space<vmem>>, vector<16xf32>,
    tpu.vector_store %arg9[%swap3A_302, %swap3A_303], %gather3A_300 {strides = array<i32>} : memref<4x64xf32, #tpu.memory_space<vmem>>, vector<16xf32>,
    %dma_wait3A_305 = arith.constant 2 : i32
    %dma_wait3A_306 = arith.constant 0 : i32
    %dma_wait3A_307 = tpu.memref_slice %arg8[%dma_wait3A_305, %dma_wait3A_306] : memref<4x64xi32, #tpu.memory_space<vmem>> -> memref<1x64xi32, #tpu.memory_space<vmem>>
    %dma_wait3A_308 = tpu.memref_squeeze %dma_wait3A_307 : memref<1x64xi32, #tpu.memory_space<vmem>> -> memref<64xi32, #tpu.memory_space<vmem>>
    %dma_wait3A_309 = arith.constant 0 : i32
    %dma_wait3A_310 = arith.constant 256 : i32
    %dma_wait3A_311 = tpu.memref_slice %arg2[%dma_wait3A_309, %dma_wait3A_310] : memref<65536x512xf32, #tpu.memory_space<hbm>> -> memref<65536x128xf32, #tpu.memory_space<hbm>>
    tpu.wait_indirect_dma semaphore(%arg16 : memref<!tpu.dma_semaphore, #tpu.memory_space<semaphore_mem>>) src(%dma_wait3A_311 : memref<65536x128xf32, #tpu.memory_space<hbm>>) dst(%arg12 : memref<64x128xf32, #tpu.memory_space<vmem>>)
    %get3A_312 = arith.constant 32 : index
    %get3A_313 = tpu.vector_load %arg7[%get3A_312] {strides = array<i32>} : memref<64xi32, #tpu.memory_space<vmem>>, vector<16xi32>,
    %sub3A_314 = arith.constant 256 : i32
    %sub3A_315 = vector.broadcast %sub3A_314 : i32 to vector<16xi32>
    %sub3A_316 = arith.subi %get3A_313, %sub3A_315 : vector<16xi32>
    %add3A_317 = arith.constant 0 : i32
    %add3A_318 = vector.broadcast %add3A_317 : i32 to vector<16xi32>
    %add3A_319 = arith.addi %iota3A, %add3A_318 : vector<16xi32>
    %gather3A_320 = tpu.vector_load_idx %arg12[%add3A_319, %sub3A_316] : memref<64x128xf32, #tpu.memory_space<vmem>>[vector<16xi32>, vector<16xi32>], vector<16xf32>,
    %swap3A_321 = arith.constant 0 : i32
    %swap3A_322 = arith.index_cast %swap3A_321 : i32 to index
    %swap3A_323 = arith.constant 32 : index
    %swap3A_324 = tpu.vector_load %arg9[%swap3A_322, %swap3A_323] {strides = array<i32>} : memref<4x64xf32, #tpu.memory_space<vmem>>, vector<16xf32>,
    tpu.vector_store %arg9[%swap3A_322, %swap3A_323], %gather3A_320 {strides = array<i32>} : memref<4x64xf32, #tpu.memory_space<vmem>>, vector<16xf32>,
    %add3A_325 = arith.constant 16 : i32
    %add3A_326 = vector.broadcast %add3A_325 : i32 to vector<16xi32>
    %add3A_327 = arith.addi %iota3A, %add3A_326 : vector<16xi32>
    %gather3A_328 = tpu.vector_load_idx %arg12[%add3A_327, %sub3A_316] : memref<64x128xf32, #tpu.memory_space<vmem>>[vector<16xi32>, vector<16xi32>], vector<16xf32>,
    %swap3A_329 = arith.constant 1 : i32
    %swap3A_330 = arith.index_cast %swap3A_329 : i32 to index
    %swap3A_331 = arith.constant 32 : index
    %swap3A_332 = tpu.vector_load %arg9[%swap3A_330, %swap3A_331] {strides = array<i32>} : memref<4x64xf32, #tpu.memory_space<vmem>>, vector<16xf32>,
    tpu.vector_store %arg9[%swap3A_330, %swap3A_331], %gather3A_328 {strides = array<i32>} : memref<4x64xf32, #tpu.memory_space<vmem>>, vector<16xf32>,
    %add3A_333 = arith.constant 32 : i32
    %add3A_334 = vector.broadcast %add3A_333 : i32 to vector<16xi32>
    %add3A_335 = arith.addi %iota3A, %add3A_334 : vector<16xi32>
    %gather3A_336 = tpu.vector_load_idx %arg12[%add3A_335, %sub3A_316] : memref<64x128xf32, #tpu.memory_space<vmem>>[vector<16xi32>, vector<16xi32>], vector<16xf32>,
    %swap3A_337 = arith.constant 2 : i32
    %swap3A_338 = arith.index_cast %swap3A_337 : i32 to index
    %swap3A_339 = arith.constant 32 : index
    %swap3A_340 = tpu.vector_load %arg9[%swap3A_338, %swap3A_339] {strides = array<i32>} : memref<4x64xf32, #tpu.memory_space<vmem>>, vector<16xf32>,
    tpu.vector_store %arg9[%swap3A_338, %swap3A_339], %gather3A_336 {strides = array<i32>} : memref<4x64xf32, #tpu.memory_space<vmem>>, vector<16xf32>,
    %add3A_341 = arith.constant 48 : i32
    %add3A_342 = vector.broadcast %add3A_341 : i32 to vector<16xi32>
    %add3A_343 = arith.addi %iota3A, %add3A_342 : vector<16xi32>
    %gather3A_344 = tpu.vector_load_idx %arg12[%add3A_343, %sub3A_316] : memref<64x128xf32, #tpu.memory_space<vmem>>[vector<16xi32>, vector<16xi32>], vector<16xf32>,
    %swap3A_345 = arith.constant 3 : i32
    %swap3A_346 = arith.index_cast %swap3A_345 : i32 to index
    %swap3A_347 = arith.constant 32 : index
    %swap3A_348 = tpu.vector_load %arg9[%swap3A_346, %swap3A_347] {strides = array<i32>} : memref<4x64xf32, #tpu.memory_space<vmem>>, vector<16xf32>,
    tpu.vector_store %arg9[%swap3A_346, %swap3A_347], %gather3A_344 {strides = array<i32>} : memref<4x64xf32, #tpu.memory_space<vmem>>, vector<16xf32>,
    %dma_wait3A_349 = arith.constant 3 : i32
    %dma_wait3A_350 = arith.constant 0 : i32
    %dma_wait3A_351 = tpu.memref_slice %arg8[%dma_wait3A_349, %dma_wait3A_350] : memref<4x64xi32, #tpu.memory_space<vmem>> -> memref<1x64xi32, #tpu.memory_space<vmem>>
    %dma_wait3A_352 = tpu.memref_squeeze %dma_wait3A_351 : memref<1x64xi32, #tpu.memory_space<vmem>> -> memref<64xi32, #tpu.memory_space<vmem>>
    %dma_wait3A_353 = arith.constant 0 : i32
    %dma_wait3A_354 = arith.constant 384 : i32
    %dma_wait3A_355 = tpu.memref_slice %arg2[%dma_wait3A_353, %dma_wait3A_354] : memref<65536x512xf32, #tpu.memory_space<hbm>> -> memref<65536x128xf32, #tpu.memory_space<hbm>>
    tpu.wait_indirect_dma semaphore(%arg17 : memref<!tpu.dma_semaphore, #tpu.memory_space<semaphore_mem>>) src(%dma_wait3A_355 : memref<65536x128xf32, #tpu.memory_space<hbm>>) dst(%arg13 : memref<64x128xf32, #tpu.memory_space<vmem>>)
    %get3A_356 = arith.constant 48 : index
    %get3A_357 = tpu.vector_load %arg7[%get3A_356] {strides = array<i32>} : memref<64xi32, #tpu.memory_space<vmem>>, vector<16xi32>,
    %sub3A_358 = arith.constant 384 : i32
    %sub3A_359 = vector.broadcast %sub3A_358 : i32 to vector<16xi32>
    %sub3A_360 = arith.subi %get3A_357, %sub3A_359 : vector<16xi32>
    %add3A_361 = arith.constant 0 : i32
    %add3A_362 = vector.broadcast %add3A_361 : i32 to vector<16xi32>
    %add3A_363 = arith.addi %iota3A, %add3A_362 : vector<16xi32>
    %gather3A_364 = tpu.vector_load_idx %arg13[%add3A_363, %sub3A_360] : memref<64x128xf32, #tpu.memory_space<vmem>>[vector<16xi32>, vector<16xi32>], vector<16xf32>,
    %swap3A_365 = arith.constant 0 : i32
    %swap3A_366 = arith.index_cast %swap3A_365 : i32 to index
    %swap3A_367 = arith.constant 48 : index
    %swap3A_368 = tpu.vector_load %arg9[%swap3A_366, %swap3A_367] {strides = array<i32>} : memref<4x64xf32, #tpu.memory_space<vmem>>, vector<16xf32>,
    tpu.vector_store %arg9[%swap3A_366, %swap3A_367], %gather3A_364 {strides = array<i32>} : memref<4x64xf32, #tpu.memory_space<vmem>>, vector<16xf32>,
    %add3A_369 = arith.constant 16 : i32
    %add3A_370 = vector.broadcast %add3A_369 : i32 to vector<16xi32>
    %add3A_371 = arith.addi %iota3A, %add3A_370 : vector<16xi32>
    %gather3A_372 = tpu.vector_load_idx %arg13[%add3A_371, %sub3A_360] : memref<64x128xf32, #tpu.memory_space<vmem>>[vector<16xi32>, vector<16xi32>], vector<16xf32>,
    %swap3A_373 = arith.constant 1 : i32
    %swap3A_374 = arith.index_cast %swap3A_373 : i32 to index
    %swap3A_375 = arith.constant 48 : index
    %swap3A_376 = tpu.vector_load %arg9[%swap3A_374, %swap3A_375] {strides = array<i32>} : memref<4x64xf32, #tpu.memory_space<vmem>>, vector<16xf32>,
    tpu.vector_store %arg9[%swap3A_374, %swap3A_375], %gather3A_372 {strides = array<i32>} : memref<4x64xf32, #tpu.memory_space<vmem>>, vector<16xf32>,
    %add3A_377 = arith.constant 32 : i32
    %add3A_378 = vector.broadcast %add3A_377 : i32 to vector<16xi32>
    %add3A_379 = arith.addi %iota3A, %add3A_378 : vector<16xi32>
    %gather3A_380 = tpu.vector_load_idx %arg13[%add3A_379, %sub3A_360] : memref<64x128xf32, #tpu.memory_space<vmem>>[vector<16xi32>, vector<16xi32>], vector<16xf32>,
    %swap3A_381 = arith.constant 2 : i32
    %swap3A_382 = arith.index_cast %swap3A_381 : i32 to index
    %swap3A_383 = arith.constant 48 : index
    %swap3A_384 = tpu.vector_load %arg9[%swap3A_382, %swap3A_383] {strides = array<i32>} : memref<4x64xf32, #tpu.memory_space<vmem>>, vector<16xf32>,
    tpu.vector_store %arg9[%swap3A_382, %swap3A_383], %gather3A_380 {strides = array<i32>} : memref<4x64xf32, #tpu.memory_space<vmem>>, vector<16xf32>,
    %add3A_385 = arith.constant 48 : i32
    %add3A_386 = vector.broadcast %add3A_385 : i32 to vector<16xi32>
    %add3A_387 = arith.addi %iota3A, %add3A_386 : vector<16xi32>
    %gather3A_388 = tpu.vector_load_idx %arg13[%add3A_387, %sub3A_360] : memref<64x128xf32, #tpu.memory_space<vmem>>[vector<16xi32>, vector<16xi32>], vector<16xf32>,
    %swap3A_389 = arith.constant 3 : i32
    %swap3A_390 = arith.index_cast %swap3A_389 : i32 to index
    %swap3A_391 = arith.constant 48 : index
    %swap3A_392 = tpu.vector_load %arg9[%swap3A_390, %swap3A_391] {strides = array<i32>} : memref<4x64xf32, #tpu.memory_space<vmem>>, vector<16xf32>,
    tpu.vector_store %arg9[%swap3A_390, %swap3A_391], %gather3A_388 {strides = array<i32>} : memref<4x64xf32, #tpu.memory_space<vmem>>, vector<16xf32>,
    "tpu.region"() ({
      %run_scoped3A = tpu.sem_alloc : memref<!tpu.dma_semaphore, #tpu.memory_space<semaphore_mem>>
      %dma_start3A_393 = arith.constant 0 : i32
      %dma_start3A_394 = tpu.memref_slice %arg5[%mul3A_2, %dma_start3A_393] : memref<128x64xf32, #tpu.memory_space<hbm>> -> memref<4x64xf32, #tpu.memory_space<hbm>>
      %dma_start3A_395 = arith.constant 0 : i32
      %dma_start3A_396 = tpu.memref_slice %arg5[%mul3A_2, %dma_start3A_395] : memref<128x64xf32, #tpu.memory_space<hbm>> -> memref<4x64xf32, #tpu.memory_space<hbm>>
      tpu.enqueue_dma source(%arg9 : memref<4x64xf32, #tpu.memory_space<vmem>>) target(%dma_start3A_396 : memref<4x64xf32, #tpu.memory_space<hbm>>) target_semaphore(%run_scoped3A : memref<!tpu.dma_semaphore, #tpu.memory_space<semaphore_mem>>)
      %dma_wait3A_397 = arith.constant 0 : i32
      %dma_wait3A_398 = tpu.memref_slice %arg5[%mul3A_2, %dma_wait3A_397] : memref<128x64xf32, #tpu.memory_space<hbm>> -> memref<4x64xf32, #tpu.memory_space<hbm>>
      %dma_wait3A_399 = arith.constant 0 : i32
      %dma_wait3A_400 = tpu.memref_slice %arg5[%mul3A_2, %dma_wait3A_399] : memref<128x64xf32, #tpu.memory_space<hbm>> -> memref<4x64xf32, #tpu.memory_space<hbm>>
      tpu.wait_dma2 semaphore(%run_scoped3A : memref<!tpu.dma_semaphore, #tpu.memory_space<semaphore_mem>>) src(%arg9 : memref<4x64xf32, #tpu.memory_space<vmem>>) dst(%dma_wait3A_400 : memref<4x64xf32, #tpu.memory_space<hbm>>)
      tpu.yield
    }) : () -> ()
    return
  }
}

</mosaic_0001>

<sc_bundles>
// kernel: kernel.3.cloned.1.call-start
scs
__scs_entry_jumppad:
0x0: {  	(pc) =	sbr.rel $0x88, $3  }
0x1: {  	(tag) =	ssettag $0x0;
	lr =	simm.s32 $0x1  }
0x2: {  	[smem:$0x3F9E] =	sst lr;
	_ =	strace $0xD0000000  }
0x3: {  	_ = 	snop  }
0x4: {  	_ = 	snop  }
0x5: {  	_ = 	snop  }
0x6: {  	_ = 	snop  }
0x7: {  	_ = 	snop  }
__scs_overlays_trampoline_lowered:
0x8: {  	[smem:$0x3FAD] =	sst s0  }
0x9: {  	[smem:$0x3FAE] =	sst s1  }
0xa: {  	[smem:$0x3FAF] =	sst s2  }
0xb: {  	[smem:$0x3FB0] =	sst s3  }
0xc: {  	[smem:$0x3FB1] =	sst s4  }
0xd: {  	[smem:$0x3FB2] =	sst s5  }
0xe: {  	[smem:$0x3FB3] =	sst s6  }
0xf: {  	[smem:$0x3FB4] =	sst s7  }
0x10: {  	[smem:$0x3FB5] =	sst s8  }
0x11: {  	[smem:$0x3FB6] =	sst s9;
	s0 =	simm.s32 @!p0 $0x0  }
0x12: {  	s1 =	sld [smem:$0x3F9C];
	s0 =	simm.s32 @p0 $0x1  }
0x13: {  	[smem:$0x3FB7] =	sst s0;
	s0 =	simm.s32 @!p1 $0x0  }
0x14: {  	s2 =	sld [smem:$0x3F9B];
	s0 =	simm.s32 @p1 $0x1  }
0x15: {  	[smem:$0x3FB8] =	sst s0;
	s0 =	simm.s32 @!p2 $0x0  }
0x16: {  	s3 =	sld [smem:$0x3FDB];
	s0 =	simm.s32 @p2 $0x1  }
0x17: {  	s4 =	simm.s32 $0x1BF5;
	[smem:$0x3FBA] =	sst s0  }
0x18: {  	s0 =	sld [smem:$0x3F9D];
	_ =	swait.ge [sflag:s4], $0x0  }
0x19: {  	s7 =	sld [smem:$0x3F9E]  }
0x1a: {  	s8 =	sadd.s32 $0xFFFFE003, lr  }
0x1b: {  	s9 =	sadd.s32 $0xFFFFFEF7, lr;
	s5 =	simm.s32 $0xFFFFFFFF;
	p2 =	slt.u32 s8, $0xFFFFF086  }
0x1c: {  	p1 =	slt.u32 s9, $0xF7A;
	s5 =	simm.s32 @!p2 $0x0  }
0x1d: {  	s5 =	simm.s32 @p1 $0x1;
	p0 =	seq.s32 s7, s2  }
0x1e: {  	s7 =	smul.u32 @!p0 $0xF7A, s2;
	p2 =	seq.s32 @!p0 s5, $0x0  }
0x1f: {  	s9 =	smul.u32 $0xF7A, s1;
	s8 =	simm.s32 @!p0 $0x1BF5;
	p2 =	por !p2, p0  }
0x20: {  	[sflag:s8] =	ssyncset.s32 @!p0 $0xFFFFF086;
	s6 =	sadd.s32 @!p0 s3, s7;
	s7 =	simm.s32 @!p0 $0x108  }
0x21: {  	s3 =	sadd.s32 s3, s9;
	s6 =	sadd.s32 @!p0 $0x88, s6;
	s7 =	simm.s32 @p2 $0x1082  }
0x22: {  	[simem:s7], [sflag:s8] =	dma.local @!p0 [hbm:s6], $0xF7A  }
0x23: {  	s9 =	sor.u32 $0xD0000000, s2;
	s6 =	simm.s32 $0x108;
	_ =	swait.ge @!p0 [sflag:s8], $0x0  }
0x24: {  	s3 =	sadd.s32 $0x88, s3;
	s6 =	simm.s32 @!p1 $0x1082;
	[sflag:s4] =	ssyncset.s32 $0xFFFFF086  }
0x25: {  	[simem:s6], [sflag:s4] =	dma.local [hbm:s3], $0xF7A  }
0x26: {  	[smem:$0x3F9E] =	sst s1;
	(tag) =	ssettag s2;
	_ =	strace s9  }
0x27: {  	s1 =	sld [smem:$0x3FAE]  }
0x28: {  	s2 =	sld [smem:$0x3FAF]  }
0x29: {  	s4 =	sld [smem:$0x3FB1]  }
0x2a: {  	p0 =	seq.s32 s5, $0x0;
	s5 =	sld [smem:$0x3FB2]  }
0x2b: {  	s6 =	sld [smem:$0x3FB3]  }
0x2c: {  	s7 =	sld [smem:$0x3FB4]  }
0x2d: {  	s3 =	simm.s32 $0x108;
	s8 =	sld [smem:$0x3FB5]  }
0x2e: {  	s3 =	simm.s32 @!p0 $0x1082;
	s9 =	sld [smem:$0x3FB6]  }
0x2f: {  	lr =	sadd.s32 s0, s3;
	s0 =	sld [smem:$0x3FAD]  }
0x30: {  	s3 =	sld [smem:$0x3FB0]  }
0x31: {  	[smem:$0x3FB9] =	sst s10  }
0x32: {  	s10 =	sld [smem:$0x3FB7];
	_ =	sdelay $0x3  }
0x33: {  	p0 =	seq.s32 s10, $0x1;
	s10 =	sld [smem:$0x3FB9];
	_ =	sdelay $0x3  }
0x34: {  	[smem:$0x3FB9] =	sst s10  }
0x35: {  	s10 =	sld [smem:$0x3FB8];
	_ =	sdelay $0x3  }
0x36: {  	p1 =	seq.s32 s10, $0x1;
	s10 =	sld [smem:$0x3FB9];
	_ =	sdelay $0x3  }
0x37: {  	[smem:$0x3FB9] =	sst s10  }
0x38: {  	s10 =	sld [smem:$0x3FBA]  }
0x39: {  	_ = 	snop;
	(pc) =	sbr.ind lr, $3  }
0x3a: {  	_ = 	snop  }
0x3b: {  	_ = 	snop  }
0x3c: {  	p2 =	seq.s32 s10, $0x1;
	s10 =	sld [smem:$0x3FB9]  }
0x3d: {  	_ =	shalt  }
0x3e: {  	_ =	shalt  }
0x3f: {  	_ =	shalt  }
0x40: {  	_ =	shalt  }
0x41: {  	_ =	shalt  }
0x42: {  	_ =	shalt  }
0x43: {  	_ =	shalt  }
0x44: {  	_ =	shalt  }
0x45: {  	_ =	shalt  }
0x46: {  	_ =	shalt  }
0x47: {  	_ =	shalt  }
0x48: {  	_ =	shalt  }
0x49: {  	_ =	shalt  }
0x4a: {  	_ =	shalt  }
0x4b: {  	_ =	shalt  }
0x4c: {  	_ =	shalt  }
0x4d: {  	_ =	shalt  }
0x4e: {  	_ =	shalt  }
0x4f: {  	_ =	shalt  }
0x50: {  	_ =	shalt  }
0x51: {  	_ =	shalt  }
0x52: {  	_ =	shalt  }
0x53: {  	_ =	shalt  }
0x54: {  	_ =	shalt  }
0x55: {  	_ =	shalt  }
0x56: {  	_ =	shalt  }
0x57: {  	_ =	shalt  }
0x58: {  	_ =	shalt  }
0x59: {  	_ =	shalt  }
0x5a: {  	_ =	shalt  }
0x5b: {  	_ =	shalt  }
0x5c: {  	_ =	shalt  }
0x5d: {  	_ =	shalt  }
0x5e: {  	_ =	shalt  }
0x5f: {  	_ =	shalt  }
0x60: {  	_ =	shalt  }
0x61: {  	_ =	shalt  }
0x62: {  	_ =	shalt  }
0x63: {  	_ =	shalt  }
0x64: {  	_ =	shalt  }
0x65: {  	_ =	shalt  }
0x66: {  	_ =	shalt  }
0x67: {  	_ =	shalt  }
0x68: {  	_ =	shalt  }
0x69: {  	_ =	shalt  }
0x6a: {  	_ =	shalt  }
0x6b: {  	_ =	shalt  }
0x6c: {  	_ =	shalt  }
0x6d: {  	_ =	shalt  }
0x6e: {  	_ =	shalt  }
0x6f: {  	_ =	shalt  }
0x70: {  	_ =	shalt  }
0x71: {  	_ =	shalt  }
0x72: {  	_ =	shalt  }
0x73: {  	_ =	shalt  }
0x74: {  	_ =	shalt  }
0x75: {  	_ =	shalt  }
0x76: {  	_ =	shalt  }
0x77: {  	_ =	shalt  }
0x78: {  	_ =	shalt  }
0x79: {  	_ =	shalt  }
0x7a: {  	_ =	shalt  }
0x7b: {  	_ =	shalt  }
0x7c: {  	_ =	shalt  }
0x7d: {  	_ =	shalt  }
0x7e: {  	_ =	shalt  }
0x7f: {  	_ =	shalt  }
0x80: {  	_ =	shalt  }
0x81: {  	_ =	shalt  }
0x82: {  	_ =	shalt  }
0x83: {  	_ =	shalt  }
0x84: {  	_ =	shalt  }
0x85: {  	_ =	shalt  }
0x86: {  	_ =	shalt  }
0x87: {  	_ =	shalt  }
.Lfunc_end0:
.L_simem_size_0:
called_computation_lowered:
.L_overlay_start_0:
0x88: {  	s2 =	sld [smem:$0x3FD9]  }
0x89: {  	s3 =	sld [smem:$0x3FFE];
	_ =	sdelay $0x1  }
0x8a: {  	s1 =	srdreg.scid  }
0x8b: {  	s0 =	sand.u32 $0x1, s1  }
0x8c: {  	s17 =	sshll.u32 s0, $0xA;
	s2 =	sadd.s32 s3, s2  }
0x8d: {  	s2 =	sadd.s32 s2, s17  }
0x8e: {  	[smem:$0x3FC5] =	sst s2  }
0x8f: {  	_ = 	snop  }
0x90: {  	s2 =	sld [smem:$0x3FC9]  }
0x91: {  	s18 =	sld [smem:$0x3FC8]  }
0x92: {  	s4 =	sld [smem:$0x3FC7];
	(tm) =	ssettm $0x1  }
0x93: {  	s5 =	sld [smem:$0x3FFB];
	_ =	sdelay $0x3  }
0x94: {  	_ =	strace s5  }
0x95: {  	s5 =	sld [smem:$0x3FFC];
	_ =	sdelay $0x3  }
0x96: {  	_ =	strace s5  }
0x97: {  	s5 =	sld [smem:$0x3FFD];
	_ =	sdelay $0x3  }
0x98: {  	_ =	strace s5  }
0x99: {  	_ =	strace $0x8FFFFFFF  }
0x9a: {  	s19 =	sld [smem:$0x3FDB];
	_ =	sdelay $0x1  }
0x9b: {  	s6 =	simm.s32 $_scs_section_size  }
0x9c: {  	s7 =	simm.s32 $_size__tile_overlayer_lowered;
	s8 =	simm.s32 $_tile_overlayer_lowered  }
0x9d: {  	s22 =	simm.s32 $0x1BFF;
	s21 =	sshll.u32 s8, $0x1;
	s5 =	sadd.s32 s6, s19  }
0x9e: {  	s9 =	simm.s32 $0x0;
	s20 =	sshll.u32 s7, $0x1;
	s7 =	sadd.s32 s21, s5  }
0x9f: {  	[timem:s9], [sflag:s22] =	dma.local [hbm:s7], s20  }
0xa0: {  	_ =	swait.ge [sflag:s22], s20  }
0xa1: {  	s6 =	ssub.s32 $0x0, s20;
	[sflag:s22] =	ssyncset.done $0x0  }
0xa2: {  	[sflag:s22] =	ssyncadd.s32 s6;
	_ =	sdelay $0x1  }
0xa3: {  	s23 =	simm.s32 $0x1B8B  }
0xa4: {  	_ =	swait.ge [sflag:s23], $0x1  }
0xa5: {  	[sflag:s23] =	ssyncset.done $0x0  }
0xa6: {  	s25 =	simm.s32 $0x1B8E;
	s24 =	sld [smem:$0x3FFE];
	[sflag:s23] =	ssyncadd.s32 $0xFFFFFFFF  }
0xa7: {  	s26 =	simm.s32 $execute0_lowered;
	[smem:$0x3FD2] =	sst s25  }
0xa8: {  	s7 =	sshll.u32 s26, $0x1;
	_ =	strace $0x80000046;
	[dreg:$0x1] =	wrdreg $0xFFFFFFFF  }
0xa9: {  	s28 =	simm.s32 $_size_execute0_lowered;
	s5 =	sadd.s32 s5, s7;
	[dreg:$0x0] =	wrdreg $0x0  }
0xaa: {  	s7 =	sshll.u32 s28, $0x1;
	[dreg:$0x2] =	wrdreg s5  }
0xab: {  	[dreg:$0x3] =	wrdreg s7  }
0xac: {  	[dreg:$0x4] =	wrdreg $0xC0  }
0xad: {  	_ =	task [dreg:s9], $0x5FFFF  }
0xae: {  	[dreg:$0x1] =	wrdreg $0xFFFFFFFF  }
0xaf: {  	[dreg:$0x0] =	wrdreg $0x60  }
0xb0: {  	[dreg:$0x2] =	wrdreg s2  }
0xb1: {  	[dreg:$0x3] =	wrdreg s18  }
0xb2: {  	[dreg:$0x4] =	wrdreg s4  }
0xb3: {  	[dreg:$0x5] =	wrdreg s24  }
0xb4: {  	[dreg:$0x6] =	wrdreg $0x9  }
0xb5: {  	_ =	task.clear_ibuf [dreg:s9], $0x7FFFF;
	_ =	strace $0x90000046  }
0xb6: {  	s29 =	simm.s32 $0x9;
	_ =	strace $0x80000048  }
0xb7: {  	_ =	swait.ge [sflag:s29], $0x1  }
0xb8: {  	[sflag:s29] =	ssyncadd.s32 $0xFFFFFFFF  }
0xb9: {  	_ =	strace $0x90000048  }
0xba: {  	_ =	sfence  }
0xbb: {  	s30 =	sld [smem:$0x0];
	_ =	sdelay $0x2  }
0xbc: {  	s31 =	sshll.u32 s1, $0xD;
	s1 =	sshrl.u32 s1, $0x2  }
0xbd: {  	s3 =	sand.u32 $0x4000, s31;
	s1 =	sadd.s32 s1, s30  }
0xbe: {  	s0 =	sor.u32 s3, s0;
	s1 =	sshll.u32 s1, $0x11  }
0xbf: {  	s0 =	sor.u32 s1, s0  }
0xc0: {  	s0 =	sadd.s32 $0x8F2B, s0  }
0xc1: {  	[sflag:s0] =	ssyncadd.remote.s32 $0x1  }
0xc2: {  	_ =	sfence.sel $0xFFFF  }
0xc3: {  	[dreg:$0x0] =	wrdreg $0xFFFFFFFF;
	(pc) =	sbr.abs _section_cstart, $3  }
0xc4: {  	[dreg:$0x1] =	wrdreg $0xFFFFFFFF  }
0xc5: {  	_ =	task.clear_ibuf [dreg:s9], $0x2FFFF;
	_ =	strace $0x9FFFFFFF  }
0xc6: {  	(tm) =	ssettm $0x7FFFFFFF  }
0xc7: {  	_ =	shalt  }
tec
execute0_lowered:
.L_overlay_start_1:
0x0: {  	(tag) =	ssettag $0x1  }
0x1: {  	s0 =	rddreg [dreg:$0x0]  }
0x2: {  	s1 =	rddreg [dreg:$0x1]  }
0x3: {  	s23 =	rddreg [dreg:$0x2]  }
0x4: {  	s4 =	rddreg [dreg:$0x3]  }
0x5: {  	[dreg:$0x5] =	wrdreg s1  }
0x6: {  	s3 =	simm.s32 $0x0;
	[dreg:$0x6] =	wrdreg s23  }
0x7: {  	s26 =	simm.s32 $0x80;
	[smem:$0x7FF] =	sst s3  }
0x8: {  	s6 =	simm.s32 $0x600;
	_ =	strace $0x80000047;
	[dreg:$0x8] =	wrdreg s26  }
0x9: {  	s7 =	simm.s32 $0x680;
	[dreg:$0xa] =	wrdreg s6  }
0xa: {  	s8 =	simm.s32 $0x700;
	[dreg:$0xb] =	wrdreg s7  }
0xb: {  	s9 =	simm.s32 $0x780;
	[dreg:$0xc] =	wrdreg s8  }
0xc: {  	s10 =	simm.s32 $0x800;
	[dreg:$0xd] =	wrdreg s9  }
0xd: {  	s11 =	simm.s32 $0x880;
	[dreg:$0xe] =	wrdreg s10  }
0xe: {  	s12 =	simm.s32 $0x900;
	[dreg:$0xf] =	wrdreg s11  }
0xf: {  	s13 =	simm.s32 $0x980;
	[dreg:$0x10] =	wrdreg s12  }
0x10: {  	s14 =	simm.s32 $0xA00;
	[dreg:$0x11] =	wrdreg s13  }
0x11: {  	s15 =	simm.s32 $0xA80;
	[dreg:$0x12] =	wrdreg s14  }
0x12: {  	s16 =	simm.s32 $0xB00;
	[dreg:$0x13] =	wrdreg s15  }
0x13: {  	s17 =	simm.s32 $0xB80;
	[dreg:$0x14] =	wrdreg s16  }
0x14: {  	s18 =	simm.s32 $0xC00;
	[dreg:$0x15] =	wrdreg s17  }
0x15: {  	s19 =	simm.s32 $0xC80;
	[dreg:$0x16] =	wrdreg s18  }
0x16: {  	s20 =	simm.s32 $0xD00;
	[dreg:$0x17] =	wrdreg s19  }
0x17: {  	s21 =	simm.s32 $0xD80;
	[dreg:$0x18] =	wrdreg s20  }
0x18: {  	s22 =	simm.s32 $0xE00;
	[dreg:$0x19] =	wrdreg s21  }
0x19: {  	s24 =	srdreg.scid;
	s23 =	simm.s32 $0xE80;
	[dreg:$0x1a] =	wrdreg s22  }
0x1a: {  	s1 =	sand.u32 $0x1, s24;
	s24 =	simm.s32 $0xF00;
	[dreg:$0x1b] =	wrdreg s23  }
0x1b: {  	[dreg:$0x1c] =	wrdreg s24;
	s26 =	simm.s32 $0x1000  }
0x1c: {  	s6 =	simm.s32 $0x1100;
	[dreg:$0x1e] =	wrdreg s26  }
0x1d: {  	s7 =	simm.s32 $0x1180;
	[smem:$0x725] =	sst s6  }
0x1e: {  	s8 =	simm.s32 $0x1200;
	[smem:$0x726] =	sst s7  }
0x1f: {  	s9 =	simm.s32 $0x1280;
	[smem:$0x727] =	sst s8  }
0x20: {  	s10 =	simm.s32 $0x1300;
	[smem:$0x728] =	sst s9  }
0x21: {  	s11 =	simm.s32 $0x1380;
	[smem:$0x729] =	sst s10  }
0x22: {  	s12 =	simm.s32 $0x1400;
	[smem:$0x72A] =	sst s11  }
0x23: {  	s13 =	simm.s32 $0x1480;
	[smem:$0x72B] =	sst s12  }
0x24: {  	s14 =	simm.s32 $0x1500;
	[smem:$0x72C] =	sst s13  }
0x25: {  	s15 =	simm.s32 $0x1580;
	[smem:$0x72D] =	sst s14  }
0x26: {  	s16 =	simm.s32 $0x1600;
	[smem:$0x72E] =	sst s15  }
0x27: {  	s17 =	simm.s32 $0x1680;
	[smem:$0x72F] =	sst s16  }
0x28: {  	s18 =	simm.s32 $0x1700;
	[smem:$0x730] =	sst s17  }
0x29: {  	s19 =	simm.s32 $0x1780;
	[smem:$0x731] =	sst s18  }
0x2a: {  	s20 =	simm.s32 $0x1800;
	[smem:$0x732] =	sst s19  }
0x2b: {  	s21 =	simm.s32 $0x1880;
	[smem:$0x733] =	sst s20  }
0x2c: {  	s22 =	simm.s32 $0x1900;
	[smem:$0x734] =	sst s21  }
0x2d: {  	s23 =	simm.s32 $0x1980;
	[smem:$0x735] =	sst s22  }
0x2e: {  	s5 =	sshll.u32 s1, $0x6;
	s24 =	simm.s32 $0x1A00;
	[smem:$0x736] =	sst s23  }
0x2f: {  	s4 =	sadd.s32 s5, s4;
	s5 =	simm.s32 $0x580;
	[smem:$0x737] =	sst s24  }
0x30: {  	s26 =	simm.s32 $0x1B00;
	[dreg:$0x9] =	wrdreg s5  }
0x31: {  	s6 =	simm.s32 $0x1C00;
	[smem:$0x739] =	sst s26  }
0x32: {  	s7 =	simm.s32 $0x1C80;
	[smem:$0x73B] =	sst s6  }
0x33: {  	s8 =	simm.s32 $0x1D00;
	[smem:$0x73C] =	sst s7  }
0x34: {  	s9 =	simm.s32 $0x1D80;
	[smem:$0x73D] =	sst s8  }
0x35: {  	s10 =	simm.s32 $0x1E00;
	[smem:$0x73E] =	sst s9  }
0x36: {  	s11 =	simm.s32 $0x1E80;
	[smem:$0x73F] =	sst s10  }
0x37: {  	s12 =	simm.s32 $0x1F00;
	[smem:$0x740] =	sst s11  }
0x38: {  	s13 =	simm.s32 $0x1F80;
	[smem:$0x741] =	sst s12  }
0x39: {  	s14 =	simm.s32 $0x2000;
	[smem:$0x742] =	sst s13  }
0x3a: {  	s15 =	simm.s32 $0x2080;
	[smem:$0x743] =	sst s14  }
0x3b: {  	s16 =	simm.s32 $0x2100;
	[smem:$0x744] =	sst s15  }
0x3c: {  	s17 =	simm.s32 $0x2180;
	[smem:$0x745] =	sst s16  }
0x3d: {  	s18 =	simm.s32 $0x2200;
	[smem:$0x746] =	sst s17  }
0x3e: {  	s19 =	simm.s32 $0x2280;
	[smem:$0x747] =	sst s18  }
0x3f: {  	s20 =	simm.s32 $0x2300;
	[smem:$0x748] =	sst s19  }
0x40: {  	s21 =	simm.s32 $0x2380;
	[smem:$0x749] =	sst s20  }
0x41: {  	s22 =	simm.s32 $0x2400;
	[smem:$0x74A] =	sst s21  }
0x42: {  	s2 =	stileid.u32;
	s23 =	simm.s32 $0x2480;
	[smem:$0x74B] =	sst s22  }
0x43: {  	s25 =	sshll.u32 s2, $0x7;
	s24 =	simm.s32 $0x2580;
	[smem:$0x74C] =	sst s23  }
0x44: {  	s4 =	sadd.s32 s25, s4;
	s25 =	simm.s32 $0xF80;
	[smem:$0x74D] =	sst s24  }
0x45: {  	s5 =	simm.s32 $0x1080;
	[dreg:$0x1d] =	wrdreg s25  }
0x46: {  	s26 =	simm.s32 $0x2680;
	[dreg:$0x1f] =	wrdreg s5  }
0x47: {  	s6 =	simm.s32 $0x2780;
	[smem:$0x74F] =	sst s26  }
0x48: {  	s7 =	simm.s32 $0x2800;
	[smem:$0x751] =	sst s6  }
0x49: {  	s8 =	simm.s32 $0x2880;
	[smem:$0x752] =	sst s7  }
0x4a: {  	s9 =	simm.s32 $0x2900;
	[smem:$0x753] =	sst s8  }
0x4b: {  	s10 =	simm.s32 $0x2980;
	[smem:$0x754] =	sst s9  }
0x4c: {  	s11 =	simm.s32 $0x2A00;
	[smem:$0x755] =	sst s10  }
0x4d: {  	s12 =	simm.s32 $0x2A80;
	[smem:$0x756] =	sst s11  }
0x4e: {  	s13 =	simm.s32 $0x2B00;
	[smem:$0x757] =	sst s12  }
0x4f: {  	s14 =	simm.s32 $0x2B80;
	[smem:$0x758] =	sst s13  }
0x50: {  	s15 =	simm.s32 $0x2C00;
	[smem:$0x759] =	sst s14  }
0x51: {  	s16 =	simm.s32 $0x2C80;
	[smem:$0x75A] =	sst s15  }
0x52: {  	s17 =	simm.s32 $0x2D00;
	[smem:$0x75B] =	sst s16  }
0x53: {  	s18 =	simm.s32 $0x2D80;
	[smem:$0x75C] =	sst s17  }
0x54: {  	s19 =	simm.s32 $0x2E00;
	[smem:$0x75D] =	sst s18  }
0x55: {  	s20 =	simm.s32 $0x2E80;
	[smem:$0x75E] =	sst s19  }
0x56: {  	s21 =	simm.s32 $0x2F00;
	[smem:$0x75F] =	sst s20  }
0x57: {  	s22 =	simm.s32 $0x2F80;
	[smem:$0x760] =	sst s21  }
0x58: {  	s23 =	simm.s32 $0x3000;
	[smem:$0x761] =	sst s22  }
0x59: {  	s24 =	simm.s32 $0x3080;
	[smem:$0x762] =	sst s23  }
0x5a: {  	s4 =	sadd.s32 $0x400, s4;
	[smem:$0x763] =	sst s24  }
0x5b: {  	s25 =	simm.s32 $0x1A80;
	[dreg:$0x7] =	wrdreg s4  }
0x5c: {  	s5 =	simm.s32 $0x1B80;
	[smem:$0x738] =	sst s25  }
0x5d: {  	s26 =	simm.s32 $0x3180;
	[smem:$0x73A] =	sst s5  }
0x5e: {  	s6 =	simm.s32 $0x3280;
	[smem:$0x765] =	sst s26  }
0x5f: {  	s7 =	simm.s32 $0x3300;
	[smem:$0x767] =	sst s6  }
0x60: {  	s8 =	simm.s32 $0x3380;
	[smem:$0x768] =	sst s7  }
0x61: {  	s9 =	simm.s32 $0x3400;
	[smem:$0x769] =	sst s8  }
0x62: {  	s10 =	simm.s32 $0x3480;
	[smem:$0x76A] =	sst s9  }
0x63: {  	s11 =	simm.s32 $0x3500;
	[smem:$0x76B] =	sst s10  }
0x64: {  	s12 =	simm.s32 $0x3580;
	[smem:$0x76C] =	sst s11  }
0x65: {  	s13 =	simm.s32 $0x3600;
	[smem:$0x76D] =	sst s12  }
0x66: {  	s14 =	simm.s32 $0x3680;
	[smem:$0x76E] =	sst s13  }
0x67: {  	s15 =	simm.s32 $0x3700;
	[smem:$0x76F] =	sst s14  }
0x68: {  	s16 =	simm.s32 $0x3780;
	[smem:$0x770] =	sst s15  }
0x69: {  	s17 =	simm.s32 $0x3800;
	[smem:$0x771] =	sst s16  }
0x6a: {  	s18 =	simm.s32 $0x3880;
	[smem:$0x772] =	sst s17  }
0x6b: {  	s19 =	simm.s32 $0x3900;
	[smem:$0x773] =	sst s18  }
0x6c: {  	s20 =	simm.s32 $0x3980;
	[smem:$0x774] =	sst s19  }
0x6d: {  	s21 =	simm.s32 $0x3A00;
	[smem:$0x775] =	sst s20  }
0x6e: {  	s22 =	simm.s32 $0x3A80;
	[smem:$0x776] =	sst s21  }
0x6f: {  	s23 =	simm.s32 $0x3B00;
	[smem:$0x777] =	sst s22  }
0x70: {  	s24 =	simm.s32 $0x3B80;
	[smem:$0x778] =	sst s23  }
0x71: {  	s25 =	simm.s32 $0x2600;
	[smem:$0x779] =	sst s24  }
0x72: {  	s5 =	simm.s32 $0x2700;
	[smem:$0x74E] =	sst s25  }
0x73: {  	s26 =	simm.s32 $0x3C80;
	[smem:$0x750] =	sst s5  }
0x74: {  	s6 =	simm.s32 $0x3D80;
	[smem:$0x77B] =	sst s26  }
0x75: {  	s7 =	simm.s32 $0x3E00;
	[smem:$0x77D] =	sst s6  }
0x76: {  	s8 =	simm.s32 $0x3E80;
	[smem:$0x77E] =	sst s7  }
0x77: {  	s9 =	simm.s32 $0x3F00;
	[smem:$0x77F] =	sst s8  }
0x78: {  	s10 =	simm.s32 $0x3F80;
	[smem:$0x780] =	sst s9  }
0x79: {  	s11 =	simm.s32 $0x4000;
	[smem:$0x781] =	sst s10  }
0x7a: {  	s12 =	simm.s32 $0x4080;
	[smem:$0x782] =	sst s11  }
0x7b: {  	s13 =	simm.s32 $0x4100;
	[smem:$0x783] =	sst s12  }
0x7c: {  	s14 =	simm.s32 $0x4180;
	[smem:$0x784] =	sst s13  }
0x7d: {  	s15 =	simm.s32 $0x4200;
	[smem:$0x785] =	sst s14  }
0x7e: {  	s16 =	simm.s32 $0x4280;
	[smem:$0x786] =	sst s15  }
0x7f: {  	s17 =	simm.s32 $0x4300;
	[smem:$0x787] =	sst s16  }
0x80: {  	s18 =	simm.s32 $0x4380;
	[smem:$0x788] =	sst s17  }
0x81: {  	s19 =	simm.s32 $0x4400;
	[smem:$0x789] =	sst s18  }
0x82: {  	s20 =	simm.s32 $0x4480;
	[smem:$0x78A] =	sst s19  }
0x83: {  	s21 =	simm.s32 $0x4580;
	[smem:$0x78B] =	sst s20  }
0x84: {  	s22 =	simm.s32 $0x4600;
	[smem:$0x78C] =	sst s21  }
0x85: {  	s23 =	simm.s32 $0x4680;
	[smem:$0x78D] =	sst s22  }
0x86: {  	s24 =	simm.s32 $0x4700;
	[smem:$0x78E] =	sst s23  }
0x87: {  	s25 =	simm.s32 $0x3100;
	[smem:$0x78F] =	sst s24  }
0x88: {  	s5 =	simm.s32 $0x3200;
	[smem:$0x764] =	sst s25  }
0x89: {  	s26 =	simm.s32 $0x4800;
	[smem:$0x766] =	sst s5  }
0x8a: {  	s6 =	simm.s32 $0x4900;
	[smem:$0x791] =	sst s26  }
0x8b: {  	s7 =	simm.s32 $0x4980;
	[smem:$0x793] =	sst s6  }
0x8c: {  	s8 =	simm.s32 $0x4A00;
	[smem:$0x794] =	sst s7  }
0x8d: {  	s9 =	simm.s32 $0x4A80;
	[smem:$0x795] =	sst s8  }
0x8e: {  	s10 =	simm.s32 $0x4B00;
	[smem:$0x796] =	sst s9  }
0x8f: {  	s11 =	simm.s32 $0x4B80;
	[smem:$0x797] =	sst s10  }
0x90: {  	s12 =	simm.s32 $0x4C00;
	[smem:$0x798] =	sst s11  }
0x91: {  	s13 =	simm.s32 $0x4C80;
	[smem:$0x799] =	sst s12  }
0x92: {  	s14 =	simm.s32 $0x4D00;
	[smem:$0x79A] =	sst s13  }
0x93: {  	s15 =	simm.s32 $0x4D80;
	[smem:$0x79B] =	sst s14  }
0x94: {  	s16 =	simm.s32 $0x4E00;
	[smem:$0x79C] =	sst s15  }
0x95: {  	s17 =	simm.s32 $0x4E80;
	[smem:$0x79D] =	sst s16  }
0x96: {  	s18 =	simm.s32 $0x4F00;
	[smem:$0x79E] =	sst s17  }
0x97: {  	s19 =	simm.s32 $0x4F80;
	[smem:$0x79F] =	sst s18  }
0x98: {  	s20 =	simm.s32 $0x5000;
	[smem:$0x7A0] =	sst s19  }
0x99: {  	s21 =	simm.s32 $0x5080;
	[smem:$0x7A1] =	sst s20  }
0x9a: {  	s22 =	simm.s32 $0x5100;
	[smem:$0x7A2] =	sst s21  }
0x9b: {  	s23 =	simm.s32 $0x5180;
	[smem:$0x7A3] =	sst s22  }
0x9c: {  	s24 =	simm.s32 $0x5200;
	[smem:$0x7A4] =	sst s23  }
0x9d: {  	s25 =	simm.s32 $0x3C00;
	[smem:$0x7A5] =	sst s24  }
0x9e: {  	s5 =	simm.s32 $0x3D00;
	[smem:$0x77A] =	sst s25  }
0x9f: {  	s26 =	simm.s32 $0x5300;
	[smem:$0x77C] =	sst s5  }
0xa0: {  	s6 =	simm.s32 $0x5400;
	[smem:$0x7A7] =	sst s26  }
0xa1: {  	s7 =	simm.s32 $0x5480;
	[smem:$0x7A9] =	sst s6  }
0xa2: {  	s8 =	simm.s32 $0x5500;
	[smem:$0x7AA] =	sst s7  }
0xa3: {  	s9 =	simm.s32 $0x5580;
	[smem:$0x7AB] =	sst s8  }
0xa4: {  	s10 =	simm.s32 $0x5600;
	[smem:$0x7AC] =	sst s9  }
0xa5: {  	s11 =	simm.s32 $0x5680;
	[smem:$0x7AD] =	sst s10  }
0xa6: {  	s12 =	simm.s32 $0x5700;
	[smem:$0x7AE] =	sst s11  }
0xa7: {  	s13 =	simm.s32 $0x5780;
	[smem:$0x7AF] =	sst s12  }
0xa8: {  	s14 =	simm.s32 $0x5800;
	[smem:$0x7B0] =	sst s13  }
0xa9: {  	s15 =	simm.s32 $0x5880;
	[smem:$0x7B1] =	sst s14  }
0xaa: {  	s16 =	simm.s32 $0x5900;
	[smem:$0x7B2] =	sst s15  }
0xab: {  	s17 =	simm.s32 $0x5980;
	[smem:$0x7B3] =	sst s16  }
0xac: {  	s18 =	simm.s32 $0x5A00;
	[smem:$0x7B4] =	sst s17  }
0xad: {  	s19 =	simm.s32 $0x5A80;
	[smem:$0x7B5] =	sst s18  }
0xae: {  	s20 =	simm.s32 $0x5B00;
	[smem:$0x7B6] =	sst s19  }
0xaf: {  	s21 =	simm.s32 $0x5B80;
	[smem:$0x7B7] =	sst s20  }
0xb0: {  	s22 =	simm.s32 $0x5C00;
	[smem:$0x7B8] =	sst s21  }
0xb1: {  	s23 =	simm.s32 $0x5C80;
	[smem:$0x7B9] =	sst s22  }
0xb2: {  	s24 =	simm.s32 $0x5D00;
	[smem:$0x7BA] =	sst s23  }
0xb3: {  	s25 =	simm.s32 $0x4780;
	[smem:$0x7BB] =	sst s24  }
0xb4: {  	s5 =	simm.s32 $0x4880;
	[smem:$0x790] =	sst s25  }
0xb5: {  	s26 =	simm.s32 $0x5E00;
	[smem:$0x792] =	sst s5  }
0xb6: {  	s6 =	simm.s32 $0x5F00;
	[smem:$0x7BD] =	sst s26  }
0xb7: {  	s7 =	simm.s32 $0x5F80;
	[smem:$0x7BF] =	sst s6  }
0xb8: {  	s8 =	simm.s32 $0x6000;
	[smem:$0x7C0] =	sst s7  }
0xb9: {  	s9 =	simm.s32 $0x6080;
	[smem:$0x7C1] =	sst s8  }
0xba: {  	s10 =	simm.s32 $0x6100;
	[smem:$0x7C2] =	sst s9  }
0xbb: {  	s11 =	simm.s32 $0x6180;
	[smem:$0x7C3] =	sst s10  }
0xbc: {  	s12 =	simm.s32 $0x6200;
	[smem:$0x7C4] =	sst s11  }
0xbd: {  	s13 =	simm.s32 $0x6280;
	[smem:$0x7C5] =	sst s12  }
0xbe: {  	s14 =	simm.s32 $0x6300;
	[smem:$0x7C6] =	sst s13  }
0xbf: {  	s15 =	simm.s32 $0x6380;
	[smem:$0x7C7] =	sst s14  }
0xc0: {  	s16 =	simm.s32 $0x6400;
	[smem:$0x7C8] =	sst s15  }
0xc1: {  	s17 =	simm.s32 $0x6480;
	[smem:$0x7C9] =	sst s16  }
0xc2: {  	s18 =	simm.s32 $0x6580;
	[smem:$0x7CA] =	sst s17  }
0xc3: {  	s19 =	simm.s32 $0x6600;
	[smem:$0x7CB] =	sst s18  }
0xc4: {  	s20 =	simm.s32 $0x6680;
	[smem:$0x7CC] =	sst s19  }
0xc5: {  	s21 =	simm.s32 $0x6700;
	[smem:$0x7CD] =	sst s20  }
0xc6: {  	s22 =	simm.s32 $0x6780;
	[smem:$0x7CE] =	sst s21  }
0xc7: {  	s23 =	simm.s32 $0x6800;
	[smem:$0x7CF] =	sst s22  }
0xc8: {  	s24 =	simm.s32 $0x6880;
	[smem:$0x7D0] =	sst s23  }
0xc9: {  	s25 =	simm.s32 $0x5280;
	[smem:$0x7D1] =	sst s24  }
0xca: {  	s5 =	simm.s32 $0x5380;
	[smem:$0x7A6] =	sst s25  }
0xcb: {  	s26 =	simm.s32 $0x6980;
	[smem:$0x7A8] =	sst s5  }
0xcc: {  	s6 =	simm.s32 $0x6A80;
	[smem:$0x7D3] =	sst s26  }
0xcd: {  	s7 =	simm.s32 $0x6B00;
	[smem:$0x7D5] =	sst s6  }
0xce: {  	s8 =	simm.s32 $0x6B80;
	[smem:$0x7D6] =	sst s7  }
0xcf: {  	s9 =	simm.s32 $0x6C00;
	[smem:$0x7D7] =	sst s8  }
0xd0: {  	s10 =	simm.s32 $0x6C80;
	[smem:$0x7D8] =	sst s9  }
0xd1: {  	s11 =	simm.s32 $0x6D00;
	[smem:$0x7D9] =	sst s10  }
0xd2: {  	s12 =	simm.s32 $0x6D80;
	[smem:$0x7DA] =	sst s11  }
0xd3: {  	s13 =	simm.s32 $0x6E00;
	[smem:$0x7DB] =	sst s12  }
0xd4: {  	s14 =	simm.s32 $0x6E80;
	[smem:$0x7DC] =	sst s13  }
0xd5: {  	s15 =	simm.s32 $0x6F00;
	[smem:$0x7DD] =	sst s14  }
0xd6: {  	s16 =	simm.s32 $0x6F80;
	[smem:$0x7DE] =	sst s15  }
0xd7: {  	s17 =	simm.s32 $0x7000;
	[smem:$0x7DF] =	sst s16  }
0xd8: {  	s18 =	simm.s32 $0x7080;
	[smem:$0x7E0] =	sst s17  }
0xd9: {  	s19 =	simm.s32 $0x7100;
	[smem:$0x7E1] =	sst s18  }
0xda: {  	s20 =	simm.s32 $0x7180;
	[smem:$0x7E2] =	sst s19  }
0xdb: {  	s21 =	simm.s32 $0x7200;
	[smem:$0x7E3] =	sst s20  }
0xdc: {  	s22 =	simm.s32 $0x7280;
	[smem:$0x7E4] =	sst s21  }
0xdd: {  	s23 =	simm.s32 $0x7300;
	[smem:$0x7E5] =	sst s22  }
0xde: {  	s24 =	simm.s32 $0x7380;
	[smem:$0x7E6] =	sst s23  }
0xdf: {  	s25 =	simm.s32 $0x5D80;
	[smem:$0x7E7] =	sst s24  }
0xe0: {  	s5 =	simm.s32 $0x5E80;
	[smem:$0x7BC] =	sst s25  }
0xe1: {  	s26 =	simm.s32 $0x7480;
	[smem:$0x7BE] =	sst s5  }
0xe2: {  	s6 =	simm.s32 $0x7580;
	[smem:$0x7E9] =	sst s26  }
0xe3: {  	s7 =	simm.s32 $0x7600;
	[smem:$0x7EB] =	sst s6  }
0xe4: {  	s8 =	simm.s32 $0x7680;
	[smem:$0x7EC] =	sst s7  }
0xe5: {  	s9 =	simm.s32 $0x7700;
	[smem:$0x7ED] =	sst s8  }
0xe6: {  	s10 =	simm.s32 $0x7780;
	[smem:$0x7EE] =	sst s9  }
0xe7: {  	s28 =	simm.s32 $0x6500;
	s12 =	simm.s32 $0x7800;
	[smem:$0x7EF] =	sst s10  }
0xe8: {  	s29 =	simm.s32 $0x2;
	s13 =	simm.s32 $0x7880;
	[smem:$0x7F0] =	sst s12  }
0xe9: {  	s30 =	simm.s32 $0x4;
	s14 =	simm.s32 $0x7900;
	[smem:$0x7F1] =	sst s13  }
0xea: {  	s31 =	simm.s32 $0x300;
	s16 =	simm.s32 $0x7980;
	[smem:$0x7F2] =	sst s14  }
0xeb: {  	s4 =	sadd.s32 $0x80, s0;
	s17 =	simm.s32 $0x7A00;
	[smem:$0x7F3] =	sst s16  }
0xec: {  	s11 =	ssub.s32 $0x2, s1;
	s18 =	simm.s32 $0x7A80;
	[smem:$0x7F4] =	sst s17  }
0xed: {  	s15 =	sshll.u32 s2, $0xC;
	s19 =	simm.s32 $0x7B00;
	[smem:$0x7F5] =	sst s18  }
0xee: {  	s1 =	sshll.u32 s1, $0xB;
	s21 =	simm.s32 $0x7B80;
	[smem:$0x7F6] =	sst s19  }
0xef: {  	s22 =	simm.s32 $0x7C80;
	s23 =	simm.s32 $0x7D00;
	[smem:$0x7F7] =	sst s21  }
0xf0: {  	s24 =	simm.s32 $0x7D80;
	s25 =	simm.s32 $0x6900;
	[smem:$0x7F9] =	sst s22  }
0xf1: {  	s5 =	simm.s32 $0x6A00;
	s6 =	sshrl.u32 s11, $0x1;
	[smem:$0x7FA] =	sst s23  }
0xf2: {  	v4 =	vimm.s32 $0x7;
	v16 =	vlaneseq.u32;
	v5 =	vimm.s32 $0x2;
	s1 =	sor.u32 s1, s15;
	s9 =	simm.s32 $0x7C00;
	[smem:$0x7FB] =	sst s24  }
0xf3: {  	v6 =	vimm.s32 $0x0;
	v8 =	vimm.s32 $0x1;
	v9 =	vimm.s32 $0x3;
	s26 =	simm.s32 $0x7E80;
	s12 =	simm.s32 $0x8000;
	s13 =	simm.s32 $0x8080  }
0xf4: {  	v10 =	vimm.s32 $0x5;
	v11 =	vimm.s32 $0x6;
	v12 =	vimm.s32 $0x8;
	s14 =	simm.s32 $0x8100;
	s15 =	simm.s32 $0x8180;
	s16 =	simm.s32 $0x8200  }
0xf5: {  	v13 =	vimm.s32 $0x9;
	v14 =	vimm.s32 $0xA;
	v15 =	vimm.s32 $0xB;
	s17 =	simm.s32 $0x8280;
	s18 =	simm.s32 $0x8300;
	s19 =	simm.s32 $0x8380  }
0xf6: {  	v17 =	vimm.s32 $0xC;
	v7 =	vmul.u32 $0x8, v16;
	v16 =	vmul.u32 $0x80, v16;
	s21 =	simm.s32 $0x8480;
	s22 =	simm.s32 $0x6;
	[smem:$0x7D2] =	sst s25  }
0xf7: {  	v18 =	vimm.s32 $0xD;
	v19 =	vimm.s32 $0xE;
	v20 =	vimm.s32 $0xF;
	s23 =	simm.s32 $0x1;
	s24 =	simm.s32 $0x3;
	[smem:$0x7D4] =	sst s5  }
0xf8: {  	v22 =	vimm.s32 $0x4;
	vm0 =	vmmov $0x1;
	v21 =	vor.u32 $0x800, v16;
	s25 =	simm.s32 $0x7400;
	s5 =	simm.s32 $0x7500;
	[smem:$0x7F8] =	sst s9  }
0xf9: {  	v23 =	vor.u32 $0x1000, v16;
	v24 =	vor.u32 $0x1800, v16;
	v25 =	vadd.s32 $0xFFFFFF80, v16;
	s7 =	ssub.s32 s11, s6;
	s20 =	sor.u32 $0x400, s1;
	[smem:$0x7FD] =	sst s26  }
0xfa: {  	v26 =	vadd.s32 $0x780, v16;
	v27 =	vadd.s32 $0xF80, v16;
	v28 =	vadd.s32 $0x1780, v16;
	s8 =	sor.u32 $0x600, s1;
	s6 =	sadd.s32 $0x180, s0;
	[smem:$0x7E8] =	sst s25  }
0xfb: {  	v29 =	vadd.s32 $0xFFFFFF00, v16;
	v30 =	vadd.s32 $0x700, v16;
	v31 =	vadd.s32 $0xF00, v16;
	s9 =	simm.s32 $0x500;
	s26 =	simm.s32 $0x4500;
	[smem:$0x7EA] =	sst s5  }
0xfc: {  	v32 =	vadd.s32 $0x1700, v16;
	v33 =	vadd.s32 $0xFFFFFE80, v16;
	v34 =	vadd.s32 $0x680, v16;
	s5 =	sor.u32 $0x200, s1;
	s7 =	smax.u32 s7, $0x1;
	s25 =	simm.s32 $0x7E00  }
0xfd: {  	v0 =	vmov s1;
	v2 =	vmov s20;
	v3 =	vmov s8;
	s8 =	simm.s32 $0x5;
	s20 =	simm.s32 $0x8400;
	s1 =	simm.s32 $0x7  }
0xfe: {  	v35 =	vadd.s32 $0xE80, v16;
	v36 =	vadd.s32 $0x1680, v16;
	v1 =	vmov s5;
	s5 =	sadd.s32 $0x100, s0;
	[smem:$0x7FC] =	sst s25;
	s25 =	simm.s32 $0x2500  }
.LBB2_1:
0xff: {  	s2 =	rddreg [dreg:$0x5]  }
0x100: {  	s10 =	rddreg [dreg:$0x6]  }
0x101: {  	[tilespmem:s3], [sflag:$0x5] =	stream.linear.gather [hbm4b:s2+s3], $0x80, $0x38;
	[tilespmem:$0x8500] =	vst v63  }
0x102: {  	s11 =	rddreg [dreg:$0x8]  }
0x103: {  	[tilespmem:s11], [sflag:$0x6] =	stream.linear.gather [hbm4b:s10+s3], $0x80, $0x38;
	[tilespmem:$0x8500] =	vst v63  }
0x104: {  	_ =	swait.ge [sflag:s8], $0x80  }
0x105: {  	[sflag:s8] =	ssyncset.done $0x0  }
0x106: {  	[sflag:s8] =	ssyncadd.s32 $0xFFFFFF80  }
0x107: {  	v37 =	vld [tilespmem:$0x0];
	_ =	sdelay $0x4  }
0x108: {  	v38 =	vadd.s32 v0, v37  }
0x109: {  	v39 =	vshll.u32 v38, $0x2  }
0x10a: {  	v40 =	vld [tilespmem:$0x0];
	v37 =	vand.u32 $0x7, v37;
	v39 =	vand.u32 $0xFFFFFFE0, v39  }
0x10b: {  	v41 =	vld [tilespmem:$0x0];
	v37 =	vor.u32 v37, v39  }
0x10c: {  	v55 =	vld [tilespmem:$0x0];
	v42 =	vperm.xlane v37, v6;
	_ =	sdelay $0x1  }
0x10d: {  	v43 =	vperm.xlane v37, v8;
	v42 =	vadd.s32 v7, v42  }
0x10e: {  	v56 =	vadd.s32 v1, v40;
	[tilespmem:$0x100] =	vst v38  }
0x10f: {  	v57 =	vadd.s32 v2, v41;
	[tilespmem:$0x110] =	vst v56;
	v59 =	vperm.xlane v37, v5;
	v58 =	vadd.s32 v7, v43  }
0x110: {  	v60 =	vadd.s32 v3, v55;
	[tilespmem:$0x120] =	vst v57  }
0x111: {  	[tilespmem:$0x130] =	vst v60;
	v62 =	vperm.xlane v37, v9;
	v61 =	vadd.s32 v7, v59  }
0x112: {  	[tilespmem:s9], [sflag:$0x1] =	stream.indirect_vreg.gather [hbm4b:s0+s3], $0x80, v42, vm0, $0xb8;
	[tilespmem:$0x8500] =	vst v63  }
0x113: {  	s11 =	rddreg [dreg:$0x9];
	v63 =	vperm.xlane v37, v22;
	v39 =	vadd.s32 v7, v62  }
0x114: {  	[tilespmem:s11], [sflag:$0x1] =	stream.indirect_vreg.gather [hbm4b:s0+s3], $0x80, v58, vm0, $0xb8;
	[tilespmem:$0x8500] =	vst v63  }
0x115: {  	s10 =	rddreg [dreg:$0xa];
	v45 =	vperm.xlane v37, v10;
	v44 =	vadd.s32 v7, v63  }
0x116: {  	[tilespmem:s10], [sflag:$0x1] =	stream.indirect_vreg.gather [hbm4b:s0+s3], $0x80, v61, vm0, $0xb8;
	[tilespmem:$0x8500] =	vst v63  }
0x117: {  	v47 =	vperm.xlane v37, v11;
	v46 =	vadd.s32 v7, v45;
	s11 =	rddreg [dreg:$0xb]  }
0x118: {  	[tilespmem:s11], [sflag:$0x1] =	stream.indirect_vreg.gather [hbm4b:s0+s3], $0x80, v39, vm0, $0xb8;
	[tilespmem:$0x8500] =	vst v63  }
0x119: {  	v49 =	vperm.xlane v37, v4;
	v48 =	vadd.s32 v7, v47;
	s10 =	rddreg [dreg:$0xc]  }
0x11a: {  	[tilespmem:s10], [sflag:$0x1] =	stream.indirect_vreg.gather [hbm4b:s0+s3], $0x80, v44, vm0, $0xb8;
	[tilespmem:$0x8500] =	vst v63  }
0x11b: {  	v51 =	vperm.xlane v37, v12;
	v50 =	vadd.s32 v7, v49;
	s11 =	rddreg [dreg:$0xd]  }
0x11c: {  	[tilespmem:s11], [sflag:$0x1] =	stream.indirect_vreg.gather [hbm4b:s0+s3], $0x80, v46, vm0, $0xb8;
	[tilespmem:$0x8500] =	vst v63  }
0x11d: {  	v53 =	vperm.xlane v37, v13;
	v52 =	vadd.s32 v7, v51;
	s10 =	rddreg [dreg:$0xe]  }
0x11e: {  	[tilespmem:s10], [sflag:$0x1] =	stream.indirect_vreg.gather [hbm4b:s0+s3], $0x80, v48, vm0, $0xb8;
	[tilespmem:$0x8500] =	vst v63  }
0x11f: {  	v55 =	vperm.xlane v37, v14;
	v54 =	vadd.s32 v7, v53;
	s11 =	rddreg [dreg:$0xf]  }
0x120: {  	[tilespmem:s11], [sflag:$0x1] =	stream.indirect_vreg.gather [hbm4b:s0+s3], $0x80, v50, vm0, $0xb8;
	[tilespmem:$0x8500] =	vst v63  }
0x121: {  	v57 =	vperm.xlane v37, v15;
	v56 =	vadd.s32 v7, v55;
	s10 =	rddreg [dreg:$0x10]  }
0x122: {  	[tilespmem:s10], [sflag:$0x1] =	stream.indirect_vreg.gather [hbm4b:s0+s3], $0x80, v52, vm0, $0xb8;
	[tilespmem:$0x8500] =	vst v63  }
0x123: {  	v59 =	vperm.xlane v37, v17;
	v58 =	vadd.s32 v7, v57;
	s11 =	rddreg [dreg:$0x11]  }
0x124: {  	[tilespmem:s11], [sflag:$0x1] =	stream.indirect_vreg.gather [hbm4b:s0+s3], $0x80, v54, vm0, $0xb8;
	[tilespmem:$0x8500] =	vst v63  }
0x125: {  	v60 =	vadd.s32 v7, v59;
	v61 =	vperm.xlane v37, v18;
	s10 =	rddreg [dreg:$0x12]  }
0x126: {  	[tilespmem:s10], [sflag:$0x1] =	stream.indirect_vreg.gather [hbm4b:s0+s3], $0x80, v56, vm0, $0xb8;
	[tilespmem:$0x8500] =	vst v63  }
0x127: {  	v63 =	vperm.xlane v37, v19;
	v62 =	vadd.s32 v7, v61;
	s11 =	rddreg [dreg:$0x13]  }
0x128: {  	[tilespmem:s11], [sflag:$0x1] =	stream.indirect_vreg.gather [hbm4b:s0+s3], $0x80, v58, vm0, $0xb8;
	[tilespmem:$0x8500] =	vst v63  }
0x129: {  	v42 =	vadd.s32 v7, v63;
	v37 =	vperm.xlane v37, v20;
	s10 =	rddreg [dreg:$0x14]  }
0x12a: {  	[tilespmem:s10], [sflag:$0x1] =	stream.indirect_vreg.gather [hbm4b:s0+s3], $0x80, v60, vm0, $0xb8;
	[tilespmem:$0x8500] =	vst v63  }
0x12b: {  	v37 =	vadd.s32 v7, v37;
	s11 =	rddreg [dreg:$0x15]  }
0x12c: {  	[tilespmem:s11], [sflag:$0x1] =	stream.indirect_vreg.gather [hbm4b:s0+s3], $0x80, v62, vm0, $0xb8;
	[tilespmem:$0x8500] =	vst v63  }
0x12d: {  	s10 =	rddreg [dreg:$0x16]  }
0x12e: {  	[tilespmem:s10], [sflag:$0x1] =	stream.indirect_vreg.gather [hbm4b:s0+s3], $0x80, v42, vm0, $0xb8;
	[tilespmem:$0x8500] =	vst v63  }
0x12f: {  	s11 =	rddreg [dreg:$0x17]  }
0x130: {  	[tilespmem:s11], [sflag:$0x1] =	stream.indirect_vreg.gather [hbm4b:s0+s3], $0x80, v37, vm0, $0xb8;
	[tilespmem:$0x8500] =	vst v63  }
0x131: {  	v37 =	vld [tilespmem:$0x110];
	_ =	sdelay $0x4  }
0x132: {  	v43 =	vshll.u32 v37, $0x2  }
0x133: {  	v37 =	vand.u32 $0x7, v37;
	v38 =	vand.u32 $0xFFFFFFE0, v43  }
0x134: {  	v37 =	vor.u32 v37, v38  }
0x135: {  	v38 =	vperm.xlane v37, v6;
	_ =	sdelay $0x1  }
0x136: {  	v44 =	vperm.xlane v37, v8;
	v38 =	vadd.s32 v7, v38;
	_ =	sdelay $0x1  }
0x137: {  	v45 =	vperm.xlane v37, v5;
	v39 =	vadd.s32 v7, v44  }
0x138: {  	s2 =	rddreg [dreg:$0x1a]  }
0x139: {  	s10 =	rddreg [dreg:$0x18];
	v46 =	vperm.xlane v37, v9;
	v40 =	vadd.s32 v7, v45  }
0x13a: {  	[tilespmem:s10], [sflag:$0x1] =	stream.indirect_vreg.gather [hbm4b:s0+s3], $0x80, v38, vm0, $0xb8;
	[tilespmem:$0x8500] =	vst v63  }
0x13b: {  	s11 =	rddreg [dreg:$0x19];
	v48 =	vperm.xlane v37, v22;
	v47 =	vadd.s32 v7, v46  }
0x13c: {  	[tilespmem:s11], [sflag:$0x1] =	stream.indirect_vreg.gather [hbm4b:s0+s3], $0x80, v39, vm0, $0xb8;
	[tilespmem:$0x8500] =	vst v63  }
0x13d: {  	v50 =	vperm.xlane v37, v10;
	v49 =	vadd.s32 v7, v48;
	s11 =	rddreg [dreg:$0x1b]  }
0x13e: {  	[tilespmem:s2], [sflag:$0x1] =	stream.indirect_vreg.gather [hbm4b:s0+s3], $0x80, v40, vm0, $0xb8;
	[tilespmem:$0x8500] =	vst v63  }
0x13f: {  	v52 =	vperm.xlane v37, v11;
	v51 =	vadd.s32 v7, v50;
	s2 =	rddreg [dreg:$0x1c]  }
0x140: {  	[tilespmem:s11], [sflag:$0x1] =	stream.indirect_vreg.gather [hbm4b:s0+s3], $0x80, v47, vm0, $0xb8;
	[tilespmem:$0x8500] =	vst v63  }
0x141: {  	v54 =	vperm.xlane v37, v4;
	v53 =	vadd.s32 v7, v52;
	s11 =	rddreg [dreg:$0x1d]  }
0x142: {  	[tilespmem:s2], [sflag:$0x1] =	stream.indirect_vreg.gather [hbm4b:s0+s3], $0x80, v49, vm0, $0xb8;
	[tilespmem:$0x8500] =	vst v63  }
0x143: {  	v56 =	vperm.xlane v37, v12;
	v55 =	vadd.s32 v7, v54;
	s2 =	rddreg [dreg:$0x1e]  }
0x144: {  	[tilespmem:s11], [sflag:$0x1] =	stream.indirect_vreg.gather [hbm4b:s0+s3], $0x80, v51, vm0, $0xb8;
	[tilespmem:$0x8500] =	vst v63  }
0x145: {  	v58 =	vperm.xlane v37, v13;
	v57 =	vadd.s32 v7, v56;
	s11 =	rddreg [dreg:$0x1f]  }
0x146: {  	[tilespmem:s2], [sflag:$0x1] =	stream.indirect_vreg.gather [hbm4b:s0+s3], $0x80, v53, vm0, $0xb8;
	[tilespmem:$0x8500] =	vst v63  }
0x147: {  	v60 =	vperm.xlane v37, v14;
	v59 =	vadd.s32 v7, v58;
	s2 =	sld [smem:$0x725]  }
0x148: {  	[tilespmem:s11], [sflag:$0x1] =	stream.indirect_vreg.gather [hbm4b:s0+s3], $0x80, v55, vm0, $0xb8;
	[tilespmem:$0x8500] =	vst v63  }
0x149: {  	v62 =	vperm.xlane v37, v15;
	v61 =	vadd.s32 v7, v60;
	s11 =	sld [smem:$0x726]  }
0x14a: {  	[tilespmem:s2], [sflag:$0x1] =	stream.indirect_vreg.gather [hbm4b:s0+s3], $0x80, v57, vm0, $0xb8;
	[tilespmem:$0x8500] =	vst v63  }
0x14b: {  	v63 =	vadd.s32 v7, v62;
	v44 =	vperm.xlane v37, v17;
	s2 =	sld [smem:$0x727]  }
0x14c: {  	[tilespmem:s11], [sflag:$0x1] =	stream.indirect_vreg.gather [hbm4b:s0+s3], $0x80, v59, vm0, $0xb8;
	[tilespmem:$0x8500] =	vst v63  }
0x14d: {  	v46 =	vperm.xlane v37, v18;
	v45 =	vadd.s32 v7, v44;
	s11 =	sld [smem:$0x728]  }
0x14e: {  	[tilespmem:s2], [sflag:$0x1] =	stream.indirect_vreg.gather [hbm4b:s0+s3], $0x80, v61, vm0, $0xb8;
	[tilespmem:$0x8500] =	vst v63  }
0x14f: {  	v48 =	vperm.xlane v37, v19;
	v47 =	vadd.s32 v7, v46;
	s2 =	sld [smem:$0x729]  }
0x150: {  	[tilespmem:s11], [sflag:$0x1] =	stream.indirect_vreg.gather [hbm4b:s0+s3], $0x80, v63, vm0, $0xb8;
	[tilespmem:$0x8500] =	vst v63  }
0x151: {  	v37 =	vperm.xlane v37, v20;
	v49 =	vadd.s32 v7, v48;
	s11 =	sld [smem:$0x72A]  }
0x152: {  	[tilespmem:s2], [sflag:$0x1] =	stream.indirect_vreg.gather [hbm4b:s0+s3], $0x80, v45, vm0, $0xb8;
	[tilespmem:$0x8500] =	vst v63  }
0x153: {  	v37 =	vadd.s32 v7, v37;
	s2 =	sld [smem:$0x72B]  }
0x154: {  	[tilespmem:s11], [sflag:$0x1] =	stream.indirect_vreg.gather [hbm4b:s0+s3], $0x80, v47, vm0, $0xb8;
	[tilespmem:$0x8500] =	vst v63  }
0x155: {  	s11 =	sld [smem:$0x72C]  }
0x156: {  	[tilespmem:s2], [sflag:$0x1] =	stream.indirect_vreg.gather [hbm4b:s0+s3], $0x80, v49, vm0, $0xb8;
	[tilespmem:$0x8500] =	vst v63  }
0x157: {  	_ = 	snop  }
0x158: {  	[tilespmem:s11], [sflag:$0x1] =	stream.indirect_vreg.gather [hbm4b:s0+s3], $0x80, v37, vm0, $0xb8;
	[tilespmem:$0x8500] =	vst v63  }
0x159: {  	v37 =	vld [tilespmem:$0x120];
	_ =	sdelay $0x4  }
0x15a: {  	v50 =	vshll.u32 v37, $0x2  }
0x15b: {  	v37 =	vand.u32 $0x7, v37;
	v38 =	vand.u32 $0xFFFFFFE0, v50  }
0x15c: {  	v37 =	vor.u32 v37, v38  }
0x15d: {  	v38 =	vperm.xlane v37, v6;
	_ =	sdelay $0x1  }
0x15e: {  	v51 =	vperm.xlane v37, v8;
	v38 =	vadd.s32 v7, v38;
	_ =	sdelay $0x1  }
0x15f: {  	s11 =	sld [smem:$0x72D];
	v52 =	vperm.xlane v37, v5;
	v39 =	vadd.s32 v7, v51;
	_ =	sdelay $0x1  }
0x160: {  	s10 =	sld [smem:$0x72E];
	v53 =	vperm.xlane v37, v9;
	v40 =	vadd.s32 v7, v52  }
0x161: {  	[tilespmem:s11], [sflag:$0x1] =	stream.indirect_vreg.gather [hbm4b:s0+s3], $0x80, v38, vm0, $0xb8;
	[tilespmem:$0x8500] =	vst v63  }
0x162: {  	v55 =	vperm.xlane v37, v22;
	v54 =	vadd.s32 v7, v53;
	s11 =	sld [smem:$0x72F]  }
0x163: {  	[tilespmem:s10], [sflag:$0x1] =	stream.indirect_vreg.gather [hbm4b:s0+s3], $0x80, v39, vm0, $0xb8;
	[tilespmem:$0x8500] =	vst v63  }
0x164: {  	v57 =	vperm.xlane v37, v10;
	v56 =	vadd.s32 v7, v55;
	s10 =	sld [smem:$0x730]  }
0x165: {  	[tilespmem:s11], [sflag:$0x1] =	stream.indirect_vreg.gather [hbm4b:s0+s3], $0x80, v40, vm0, $0xb8;
	[tilespmem:$0x8500] =	vst v63  }
0x166: {  	v59 =	vperm.xlane v37, v11;
	v58 =	vadd.s32 v7, v57;
	s11 =	sld [smem:$0x731]  }
0x167: {  	[tilespmem:s10], [sflag:$0x1] =	stream.indirect_vreg.gather [hbm4b:s0+s3], $0x80, v54, vm0, $0xb8;
	[tilespmem:$0x8500] =	vst v63  }
0x168: {  	v61 =	vperm.xlane v37, v4;
	v60 =	vadd.s32 v7, v59;
	s10 =	sld [smem:$0x732]  }
0x169: {  	[tilespmem:s11], [sflag:$0x1] =	stream.indirect_vreg.gather [hbm4b:s0+s3], $0x80, v56, vm0, $0xb8;
	[tilespmem:$0x8500] =	vst v63  }
0x16a: {  	v63 =	vperm.xlane v37, v12;
	v62 =	vadd.s32 v7, v61;
	s11 =	sld [smem:$0x733]  }
0x16b: {  	[tilespmem:s10], [sflag:$0x1] =	stream.indirect_vreg.gather [hbm4b:s0+s3], $0x80, v58, vm0, $0xb8;
	[tilespmem:$0x8500] =	vst v63  }
0x16c: {  	v44 =	vadd.s32 v7, v63;
	s10 =	sld [smem:$0x734]  }
0x16d: {  	[tilespmem:s11], [sflag:$0x1] =	stream.indirect_vreg.gather [hbm4b:s0+s3], $0x80, v60, vm0, $0xb8;
	[tilespmem:$0x8500] =	vst v63  }
0x16e: {  	v45 =	vperm.xlane v37, v13;
	s11 =	sld [smem:$0x735]  }
0x16f: {  	[tilespmem:s10], [sflag:$0x1] =	stream.indirect_vreg.gather [hbm4b:s0+s3], $0x80, v62, vm0, $0xb8;
	[tilespmem:$0x8500] =	vst v63  }
0x170: {  	v46 =	vperm.xlane v37, v14;
	v38 =	vadd.s32 v7, v45  }
0x171: {  	[tilespmem:s11], [sflag:$0x1] =	stream.indirect_vreg.gather [hbm4b:s0+s3], $0x80, v44, vm0, $0xb8;
	[tilespmem:$0x8500] =	vst v63  }
0x172: {  	v47 =	vperm.xlane v37, v15;
	v39 =	vadd.s32 v7, v46;
	s2 =	sld [smem:$0x736];
	_ =	sdelay $0x1  }
0x173: {  	v48 =	vperm.xlane v37, v17;
	v40 =	vadd.s32 v7, v47;
	s10 =	sld [smem:$0x737]  }
0x174: {  	[tilespmem:s2], [sflag:$0x1] =	stream.indirect_vreg.gather [hbm4b:s0+s3], $0x80, v38, vm0, $0xb8;
	[tilespmem:$0x8500] =	vst v63  }
0x175: {  	v50 =	vperm.xlane v37, v18;
	v49 =	vadd.s32 v7, v48;
	s11 =	sld [smem:$0x738]  }
0x176: {  	[tilespmem:s10], [sflag:$0x1] =	stream.indirect_vreg.gather [hbm4b:s0+s3], $0x80, v39, vm0, $0xb8;
	[tilespmem:$0x8500] =	vst v63  }
0x177: {  	v51 =	vadd.s32 v7, v50;
	v52 =	vperm.xlane v37, v19;
	s10 =	sld [smem:$0x739]  }
0x178: {  	[tilespmem:s11], [sflag:$0x1] =	stream.indirect_vreg.gather [hbm4b:s0+s3], $0x80, v40, vm0, $0xb8;
	[tilespmem:$0x8500] =	vst v63  }
0x179: {  	v37 =	vperm.xlane v37, v20;
	v53 =	vadd.s32 v7, v52;
	s11 =	sld [smem:$0x73A]  }
0x17a: {  	[tilespmem:s10], [sflag:$0x1] =	stream.indirect_vreg.gather [hbm4b:s0+s3], $0x80, v49, vm0, $0xb8;
	[tilespmem:$0x8500] =	vst v63  }
0x17b: {  	v37 =	vadd.s32 v7, v37;
	s10 =	sld [smem:$0x73B]  }
0x17c: {  	[tilespmem:s11], [sflag:$0x1] =	stream.indirect_vreg.gather [hbm4b:s0+s3], $0x80, v51, vm0, $0xb8;
	[tilespmem:$0x8500] =	vst v63  }
0x17d: {  	s11 =	sld [smem:$0x73C]  }
0x17e: {  	[tilespmem:s10], [sflag:$0x1] =	stream.indirect_vreg.gather [hbm4b:s0+s3], $0x80, v53, vm0, $0xb8;
	[tilespmem:$0x8500] =	vst v63  }
0x17f: {  	_ = 	snop  }
0x180: {  	[tilespmem:s11], [sflag:$0x1] =	stream.indirect_vreg.gather [hbm4b:s0+s3], $0x80, v37, vm0, $0xb8;
	[tilespmem:$0x8500] =	vst v63  }
0x181: {  	v37 =	vld [tilespmem:$0x130];
	_ =	sdelay $0x4  }
0x182: {  	v54 =	vshll.u32 v37, $0x2  }
0x183: {  	v37 =	vand.u32 $0x7, v37;
	v38 =	vand.u32 $0xFFFFFFE0, v54  }
0x184: {  	v37 =	vor.u32 v37, v38  }
0x185: {  	v38 =	vperm.xlane v37, v6;
	_ =	sdelay $0x1  }
0x186: {  	v55 =	vperm.xlane v37, v8;
	v38 =	vadd.s32 v7, v38;
	_ =	sdelay $0x1  }
0x187: {  	s10 =	sld [smem:$0x73D];
	v56 =	vperm.xlane v37, v5;
	v39 =	vadd.s32 v7, v55;
	_ =	sdelay $0x1  }
0x188: {  	s11 =	sld [smem:$0x73E];
	v57 =	vperm.xlane v37, v9;
	v40 =	vadd.s32 v7, v56  }
0x189: {  	[tilespmem:s10], [sflag:$0x1] =	stream.indirect_vreg.gather [hbm4b:s0+s3], $0x80, v38, vm0, $0xb8;
	[tilespmem:$0x8500] =	vst v63  }
0x18a: {  	s2 =	sld [smem:$0x73F];
	v59 =	vperm.xlane v37, v22;
	v58 =	vadd.s32 v7, v57  }
0x18b: {  	[tilespmem:s11], [sflag:$0x1] =	stream.indirect_vreg.gather [hbm4b:s0+s3], $0x80, v39, vm0, $0xb8;
	[tilespmem:$0x8500] =	vst v63  }
0x18c: {  	v61 =	vperm.xlane v37, v10;
	v60 =	vadd.s32 v7, v59;
	s11 =	sld [smem:$0x740]  }
0x18d: {  	[tilespmem:s2], [sflag:$0x1] =	stream.indirect_vreg.gather [hbm4b:s0+s3], $0x80, v40, vm0, $0xb8;
	[tilespmem:$0x8500] =	vst v63  }
0x18e: {  	v63 =	vperm.xlane v37, v11;
	v62 =	vadd.s32 v7, v61;
	s2 =	sld [smem:$0x741]  }
0x18f: {  	[tilespmem:s11], [sflag:$0x1] =	stream.indirect_vreg.gather [hbm4b:s0+s3], $0x80, v58, vm0, $0xb8;
	[tilespmem:$0x8500] =	vst v63  }
0x190: {  	v45 =	vperm.xlane v37, v4;
	v44 =	vadd.s32 v7, v63;
	s11 =	sld [smem:$0x742]  }
0x191: {  	[tilespmem:s2], [sflag:$0x1] =	stream.indirect_vreg.gather [hbm4b:s0+s3], $0x80, v60, vm0, $0xb8;
	[tilespmem:$0x8500] =	vst v63  }
0x192: {  	v47 =	vperm.xlane v37, v12;
	v46 =	vadd.s32 v7, v45;
	s2 =	sld [smem:$0x743]  }
0x193: {  	[tilespmem:s11], [sflag:$0x1] =	stream.indirect_vreg.gather [hbm4b:s0+s3], $0x80, v62, vm0, $0xb8;
	[tilespmem:$0x8500] =	vst v63  }
0x194: {  	v49 =	vperm.xlane v37, v13;
	v48 =	vadd.s32 v7, v47;
	s11 =	sld [smem:$0x744]  }
0x195: {  	[tilespmem:s2], [sflag:$0x1] =	stream.indirect_vreg.gather [hbm4b:s0+s3], $0x80, v44, vm0, $0xb8;
	[tilespmem:$0x8500] =	vst v63  }
0x196: {  	v51 =	vperm.xlane v37, v14;
	v50 =	vadd.s32 v7, v49;
	s2 =	sld [smem:$0x745]  }
0x197: {  	[tilespmem:s11], [sflag:$0x1] =	stream.indirect_vreg.gather [hbm4b:s0+s3], $0x80, v46, vm0, $0xb8;
	[tilespmem:$0x8500] =	vst v63  }
0x198: {  	v53 =	vperm.xlane v37, v15;
	v52 =	vadd.s32 v7, v51;
	s11 =	sld [smem:$0x746]  }
0x199: {  	[tilespmem:s2], [sflag:$0x1] =	stream.indirect_vreg.gather [hbm4b:s0+s3], $0x80, v48, vm0, $0xb8;
	[tilespmem:$0x8500] =	vst v63  }
0x19a: {  	v54 =	vadd.s32 v7, v53;
	v55 =	vperm.xlane v37, v17;
	s2 =	sld [smem:$0x747]  }
0x19b: {  	[tilespmem:s11], [sflag:$0x1] =	stream.indirect_vreg.gather [hbm4b:s0+s3], $0x80, v50, vm0, $0xb8;
	[tilespmem:$0x8500] =	vst v63  }
0x19c: {  	v57 =	vperm.xlane v37, v18;
	v56 =	vadd.s32 v7, v55;
	s11 =	sld [smem:$0x748]  }
0x19d: {  	[tilespmem:s2], [sflag:$0x1] =	stream.indirect_vreg.gather [hbm4b:s0+s3], $0x80, v52, vm0, $0xb8;
	[tilespmem:$0x8500] =	vst v63  }
0x19e: {  	v59 =	vperm.xlane v37, v19;
	v58 =	vadd.s32 v7, v57;
	s2 =	sld [smem:$0x749]  }
0x19f: {  	[tilespmem:s11], [sflag:$0x1] =	stream.indirect_vreg.gather [hbm4b:s0+s3], $0x80, v54, vm0, $0xb8;
	[tilespmem:$0x8500] =	vst v63  }
0x1a0: {  	v37 =	vperm.xlane v37, v20;
	v60 =	vadd.s32 v7, v59;
	s11 =	sld [smem:$0x74A]  }
0x1a1: {  	[tilespmem:s2], [sflag:$0x1] =	stream.indirect_vreg.gather [hbm4b:s0+s3], $0x80, v56, vm0, $0xb8;
	[tilespmem:$0x8500] =	vst v63  }
0x1a2: {  	v37 =	vadd.s32 v7, v37;
	s2 =	sld [smem:$0x74B]  }
0x1a3: {  	[tilespmem:s11], [sflag:$0x1] =	stream.indirect_vreg.gather [hbm4b:s0+s3], $0x80, v58, vm0, $0xb8;
	[tilespmem:$0x8500] =	vst v63  }
0x1a4: {  	s11 =	sld [smem:$0x74C]  }
0x1a5: {  	[tilespmem:s2], [sflag:$0x1] =	stream.indirect_vreg.gather [hbm4b:s0+s3], $0x80, v60, vm0, $0xb8;
	[tilespmem:$0x8500] =	vst v63  }
0x1a6: {  	_ = 	snop  }
0x1a7: {  	[tilespmem:s11], [sflag:$0x1] =	stream.indirect_vreg.gather [hbm4b:s0+s3], $0x80, v37, vm0, $0xb8;
	[tilespmem:$0x8500] =	vst v63  }
0x1a8: {  	v37 =	vld [tilespmem:$0x10];
	_ =	sdelay $0x4  }
0x1a9: {  	v61 =	vadd.s32 v0, v37  }
0x1aa: {  	v62 =	vshll.u32 v61, $0x2  }
0x1ab: {  	v40 =	vld [tilespmem:$0x10];
	v37 =	vand.u32 $0x7, v37;
	v39 =	vand.u32 $0xFFFFFFE0, v62  }
0x1ac: {  	v63 =	vld [tilespmem:$0x10];
	v37 =	vor.u32 v37, v39  }
0x1ad: {  	v45 =	vld [tilespmem:$0x10];
	v46 =	vperm.xlane v37, v6;
	_ =	sdelay $0x1  }
0x1ae: {  	v47 =	vperm.xlane v37, v8;
	v42 =	vadd.s32 v7, v46  }
0x1af: {  	v48 =	vadd.s32 v1, v40;
	[tilespmem:$0x180] =	vst v61  }
0x1b0: {  	v49 =	vadd.s32 v2, v63;
	[tilespmem:$0x190] =	vst v48;
	v51 =	vperm.xlane v37, v5;
	v50 =	vadd.s32 v7, v47  }
0x1b1: {  	v52 =	vadd.s32 v3, v45;
	[tilespmem:$0x1A0] =	vst v49  }
0x1b2: {  	s11 =	sld [smem:$0x74D];
	[tilespmem:$0x1B0] =	vst v52;
	v54 =	vperm.xlane v37, v9;
	v53 =	vadd.s32 v7, v51  }
0x1b3: {  	[tilespmem:s25], [sflag:$0x2] =	stream.indirect_vreg.gather [hbm4b:s4+s3], $0x80, v42, vm0, $0xb8;
	[tilespmem:$0x8500] =	vst v63  }
0x1b4: {  	s10 =	sld [smem:$0x74E];
	v55 =	vperm.xlane v37, v22;
	v39 =	vadd.s32 v7, v54  }
0x1b5: {  	[tilespmem:s11], [sflag:$0x2] =	stream.indirect_vreg.gather [hbm4b:s4+s3], $0x80, v50, vm0, $0xb8;
	[tilespmem:$0x8500] =	vst v63  }
0x1b6: {  	v57 =	vperm.xlane v37, v10;
	v56 =	vadd.s32 v7, v55;
	s11 =	sld [smem:$0x74F]  }
0x1b7: {  	[tilespmem:s10], [sflag:$0x2] =	stream.indirect_vreg.gather [hbm4b:s4+s3], $0x80, v53, vm0, $0xb8;
	[tilespmem:$0x8500] =	vst v63  }
0x1b8: {  	v59 =	vperm.xlane v37, v11;
	v58 =	vadd.s32 v7, v57;
	s10 =	sld [smem:$0x750]  }
0x1b9: {  	[tilespmem:s11], [sflag:$0x2] =	stream.indirect_vreg.gather [hbm4b:s4+s3], $0x80, v39, vm0, $0xb8;
	[tilespmem:$0x8500] =	vst v63  }
0x1ba: {  	v61 =	vperm.xlane v37, v4;
	v60 =	vadd.s32 v7, v59;
	s11 =	sld [smem:$0x751]  }
0x1bb: {  	[tilespmem:s10], [sflag:$0x2] =	stream.indirect_vreg.gather [hbm4b:s4+s3], $0x80, v56, vm0, $0xb8;
	[tilespmem:$0x8500] =	vst v63  }
0x1bc: {  	v63 =	vperm.xlane v37, v12;
	v62 =	vadd.s32 v7, v61;
	s10 =	sld [smem:$0x752]  }
0x1bd: {  	[tilespmem:s11], [sflag:$0x2] =	stream.indirect_vreg.gather [hbm4b:s4+s3], $0x80, v58, vm0, $0xb8;
	[tilespmem:$0x8500] =	vst v63  }
0x1be: {  	v45 =	vperm.xlane v37, v13;
	v44 =	vadd.s32 v7, v63;
	s11 =	sld [smem:$0x753]  }
0x1bf: {  	[tilespmem:s10], [sflag:$0x2] =	stream.indirect_vreg.gather [hbm4b:s4+s3], $0x80, v60, vm0, $0xb8;
	[tilespmem:$0x8500] =	vst v63  }
0x1c0: {  	v46 =	vadd.s32 v7, v45;
	v47 =	vperm.xlane v37, v14;
	s10 =	sld [smem:$0x754]  }
0x1c1: {  	[tilespmem:s11], [sflag:$0x2] =	stream.indirect_vreg.gather [hbm4b:s4+s3], $0x80, v62, vm0, $0xb8;
	[tilespmem:$0x8500] =	vst v63  }
0x1c2: {  	v49 =	vperm.xlane v37, v15;
	v48 =	vadd.s32 v7, v47;
	s11 =	sld [smem:$0x755]  }
0x1c3: {  	[tilespmem:s10], [sflag:$0x2] =	stream.indirect_vreg.gather [hbm4b:s4+s3], $0x80, v44, vm0, $0xb8;
	[tilespmem:$0x8500] =	vst v63  }
0x1c4: {  	v51 =	vperm.xlane v37, v17;
	v50 =	vadd.s32 v7, v49;
	s10 =	sld [smem:$0x756]  }
0x1c5: {  	[tilespmem:s11], [sflag:$0x2] =	stream.indirect_vreg.gather [hbm4b:s4+s3], $0x80, v46, vm0, $0xb8;
	[tilespmem:$0x8500] =	vst v63  }
0x1c6: {  	v52 =	vadd.s32 v7, v51;
	v53 =	vperm.xlane v37, v18;
	s11 =	sld [smem:$0x757]  }
0x1c7: {  	[tilespmem:s10], [sflag:$0x2] =	stream.indirect_vreg.gather [hbm4b:s4+s3], $0x80, v48, vm0, $0xb8;
	[tilespmem:$0x8500] =	vst v63  }
0x1c8: {  	v55 =	vperm.xlane v37, v19;
	v54 =	vadd.s32 v7, v53;
	s10 =	sld [smem:$0x758]  }
0x1c9: {  	[tilespmem:s11], [sflag:$0x2] =	stream.indirect_vreg.gather [hbm4b:s4+s3], $0x80, v50, vm0, $0xb8;
	[tilespmem:$0x8500] =	vst v63  }
0x1ca: {  	v37 =	vperm.xlane v37, v20;
	v56 =	vadd.s32 v7, v55;
	s11 =	sld [smem:$0x759]  }
0x1cb: {  	[tilespmem:s10], [sflag:$0x2] =	stream.indirect_vreg.gather [hbm4b:s4+s3], $0x80, v52, vm0, $0xb8;
	[tilespmem:$0x8500] =	vst v63  }
0x1cc: {  	v37 =	vadd.s32 v7, v37;
	s10 =	sld [smem:$0x75A]  }
0x1cd: {  	[tilespmem:s11], [sflag:$0x2] =	stream.indirect_vreg.gather [hbm4b:s4+s3], $0x80, v54, vm0, $0xb8;
	[tilespmem:$0x8500] =	vst v63  }
0x1ce: {  	s11 =	sld [smem:$0x75B]  }
0x1cf: {  	[tilespmem:s10], [sflag:$0x2] =	stream.indirect_vreg.gather [hbm4b:s4+s3], $0x80, v56, vm0, $0xb8;
	[tilespmem:$0x8500] =	vst v63  }
0x1d0: {  	_ = 	snop  }
0x1d1: {  	[tilespmem:s11], [sflag:$0x2] =	stream.indirect_vreg.gather [hbm4b:s4+s3], $0x80, v37, vm0, $0xb8;
	[tilespmem:$0x8500] =	vst v63  }
0x1d2: {  	v37 =	vld [tilespmem:$0x190];
	_ =	sdelay $0x4  }
0x1d3: {  	v57 =	vshll.u32 v37, $0x2  }
0x1d4: {  	v37 =	vand.u32 $0x7, v37;
	v38 =	vand.u32 $0xFFFFFFE0, v57  }
0x1d5: {  	v37 =	vor.u32 v37, v38  }
0x1d6: {  	v38 =	vperm.xlane v37, v6;
	_ =	sdelay $0x1  }
0x1d7: {  	v58 =	vperm.xlane v37, v8;
	v38 =	vadd.s32 v7, v38;
	_ =	sdelay $0x1  }
0x1d8: {  	s10 =	sld [smem:$0x75C];
	v59 =	vperm.xlane v37, v5;
	v39 =	vadd.s32 v7, v58;
	_ =	sdelay $0x1  }
0x1d9: {  	s11 =	sld [smem:$0x75D];
	v60 =	vperm.xlane v37, v9;
	v40 =	vadd.s32 v7, v59  }
0x1da: {  	[tilespmem:s10], [sflag:$0x2] =	stream.indirect_vreg.gather [hbm4b:s4+s3], $0x80, v38, vm0, $0xb8;
	[tilespmem:$0x8500] =	vst v63  }
0x1db: {  	s2 =	sld [smem:$0x75E];
	v62 =	vperm.xlane v37, v22;
	v61 =	vadd.s32 v7, v60  }
0x1dc: {  	[tilespmem:s11], [sflag:$0x2] =	stream.indirect_vreg.gather [hbm4b:s4+s3], $0x80, v39, vm0, $0xb8;
	[tilespmem:$0x8500] =	vst v63  }
0x1dd: {  	v44 =	vperm.xlane v37, v10;
	v63 =	vadd.s32 v7, v62;
	s11 =	sld [smem:$0x75F]  }
0x1de: {  	[tilespmem:s2], [sflag:$0x2] =	stream.indirect_vreg.gather [hbm4b:s4+s3], $0x80, v40, vm0, $0xb8;
	[tilespmem:$0x8500] =	vst v63  }
0x1df: {  	v46 =	vperm.xlane v37, v11;
	v45 =	vadd.s32 v7, v44;
	s2 =	sld [smem:$0x760]  }
0x1e0: {  	[tilespmem:s11], [sflag:$0x2] =	stream.indirect_vreg.gather [hbm4b:s4+s3], $0x80, v61, vm0, $0xb8;
	[tilespmem:$0x8500] =	vst v63  }
0x1e1: {  	v48 =	vperm.xlane v37, v4;
	v47 =	vadd.s32 v7, v46;
	s11 =	sld [smem:$0x761]  }
0x1e2: {  	[tilespmem:s2], [sflag:$0x2] =	stream.indirect_vreg.gather [hbm4b:s4+s3], $0x80, v63, vm0, $0xb8;
	[tilespmem:$0x8500] =	vst v63  }
0x1e3: {  	v50 =	vperm.xlane v37, v12;
	v49 =	vadd.s32 v7, v48;
	s2 =	sld [smem:$0x762]  }
0x1e4: {  	[tilespmem:s11], [sflag:$0x2] =	stream.indirect_vreg.gather [hbm4b:s4+s3], $0x80, v45, vm0, $0xb8;
	[tilespmem:$0x8500] =	vst v63  }
0x1e5: {  	v52 =	vperm.xlane v37, v13;
	v51 =	vadd.s32 v7, v50;
	s11 =	sld [smem:$0x763]  }
0x1e6: {  	[tilespmem:s2], [sflag:$0x2] =	stream.indirect_vreg.gather [hbm4b:s4+s3], $0x80, v47, vm0, $0xb8;
	[tilespmem:$0x8500] =	vst v63  }
0x1e7: {  	v54 =	vperm.xlane v37, v14;
	v53 =	vadd.s32 v7, v52;
	s2 =	sld [smem:$0x764]  }
0x1e8: {  	[tilespmem:s11], [sflag:$0x2] =	stream.indirect_vreg.gather [hbm4b:s4+s3], $0x80, v49, vm0, $0xb8;
	[tilespmem:$0x8500] =	vst v63  }
0x1e9: {  	v56 =	vperm.xlane v37, v15;
	v55 =	vadd.s32 v7, v54;
	s11 =	sld [smem:$0x765]  }
0x1ea: {  	[tilespmem:s2], [sflag:$0x2] =	stream.indirect_vreg.gather [hbm4b:s4+s3], $0x80, v51, vm0, $0xb8;
	[tilespmem:$0x8500] =	vst v63  }
0x1eb: {  	v57 =	vadd.s32 v7, v56;
	v58 =	vperm.xlane v37, v17;
	s2 =	sld [smem:$0x766]  }
0x1ec: {  	[tilespmem:s11], [sflag:$0x2] =	stream.indirect_vreg.gather [hbm4b:s4+s3], $0x80, v53, vm0, $0xb8;
	[tilespmem:$0x8500] =	vst v63  }
0x1ed: {  	v60 =	vperm.xlane v37, v18;
	v59 =	vadd.s32 v7, v58;
	s11 =	sld [smem:$0x767]  }
0x1ee: {  	[tilespmem:s2], [sflag:$0x2] =	stream.indirect_vreg.gather [hbm4b:s4+s3], $0x80, v55, vm0, $0xb8;
	[tilespmem:$0x8500] =	vst v63  }
0x1ef: {  	v62 =	vperm.xlane v37, v19;
	v61 =	vadd.s32 v7, v60;
	s2 =	sld [smem:$0x768]  }
0x1f0: {  	[tilespmem:s11], [sflag:$0x2] =	stream.indirect_vreg.gather [hbm4b:s4+s3], $0x80, v57, vm0, $0xb8;
	[tilespmem:$0x8500] =	vst v63  }
0x1f1: {  	v37 =	vperm.xlane v37, v20;
	v63 =	vadd.s32 v7, v62;
	s11 =	sld [smem:$0x769]  }
0x1f2: {  	[tilespmem:s2], [sflag:$0x2] =	stream.indirect_vreg.gather [hbm4b:s4+s3], $0x80, v59, vm0, $0xb8;
	[tilespmem:$0x8500] =	vst v63  }
0x1f3: {  	v37 =	vadd.s32 v7, v37;
	s2 =	sld [smem:$0x76A]  }
0x1f4: {  	[tilespmem:s11], [sflag:$0x2] =	stream.indirect_vreg.gather [hbm4b:s4+s3], $0x80, v61, vm0, $0xb8;
	[tilespmem:$0x8500] =	vst v63  }
0x1f5: {  	s11 =	sld [smem:$0x76B]  }
0x1f6: {  	[tilespmem:s2], [sflag:$0x2] =	stream.indirect_vreg.gather [hbm4b:s4+s3], $0x80, v63, vm0, $0xb8;
	[tilespmem:$0x8500] =	vst v63  }
0x1f7: {  	_ = 	snop  }
0x1f8: {  	[tilespmem:s11], [sflag:$0x2] =	stream.indirect_vreg.gather [hbm4b:s4+s3], $0x80, v37, vm0, $0xb8;
	[tilespmem:$0x8500] =	vst v63  }
0x1f9: {  	v37 =	vld [tilespmem:$0x1A0];
	_ =	sdelay $0x4  }
0x1fa: {  	v42 =	vshll.u32 v37, $0x2  }
0x1fb: {  	v37 =	vand.u32 $0x7, v37;
	v38 =	vand.u32 $0xFFFFFFE0, v42  }
0x1fc: {  	v37 =	vor.u32 v37, v38  }
0x1fd: {  	v38 =	vperm.xlane v37, v6;
	_ =	sdelay $0x1  }
0x1fe: {  	v43 =	vperm.xlane v37, v8;
	v38 =	vadd.s32 v7, v38;
	_ =	sdelay $0x1  }
0x1ff: {  	s10 =	sld [smem:$0x76C];
	v44 =	vperm.xlane v37, v5;
	v39 =	vadd.s32 v7, v43;
	_ =	sdelay $0x1  }
0x200: {  	s11 =	sld [smem:$0x76D];
	v45 =	vperm.xlane v37, v9;
	v40 =	vadd.s32 v7, v44  }
0x201: {  	[tilespmem:s10], [sflag:$0x2] =	stream.indirect_vreg.gather [hbm4b:s4+s3], $0x80, v38, vm0, $0xb8;
	[tilespmem:$0x8500] =	vst v63  }
0x202: {  	s2 =	sld [smem:$0x76E];
	v47 =	vperm.xlane v37, v22;
	v46 =	vadd.s32 v7, v45  }
0x203: {  	[tilespmem:s11], [sflag:$0x2] =	stream.indirect_vreg.gather [hbm4b:s4+s3], $0x80, v39, vm0, $0xb8;
	[tilespmem:$0x8500] =	vst v63  }
0x204: {  	v49 =	vperm.xlane v37, v10;
	v48 =	vadd.s32 v7, v47;
	s11 =	sld [smem:$0x76F]  }
0x205: {  	[tilespmem:s2], [sflag:$0x2] =	stream.indirect_vreg.gather [hbm4b:s4+s3], $0x80, v40, vm0, $0xb8;
	[tilespmem:$0x8500] =	vst v63  }
0x206: {  	v51 =	vperm.xlane v37, v11;
	v50 =	vadd.s32 v7, v49;
	s2 =	sld [smem:$0x770]  }
0x207: {  	[tilespmem:s11], [sflag:$0x2] =	stream.indirect_vreg.gather [hbm4b:s4+s3], $0x80, v46, vm0, $0xb8;
	[tilespmem:$0x8500] =	vst v63  }
0x208: {  	v53 =	vperm.xlane v37, v4;
	v52 =	vadd.s32 v7, v51;
	s11 =	sld [smem:$0x771]  }
0x209: {  	[tilespmem:s2], [sflag:$0x2] =	stream.indirect_vreg.gather [hbm4b:s4+s3], $0x80, v48, vm0, $0xb8;
	[tilespmem:$0x8500] =	vst v63  }
0x20a: {  	v55 =	vperm.xlane v37, v12;
	v54 =	vadd.s32 v7, v53;
	s2 =	sld [smem:$0x772]  }
0x20b: {  	[tilespmem:s11], [sflag:$0x2] =	stream.indirect_vreg.gather [hbm4b:s4+s3], $0x80, v50, vm0, $0xb8;
	[tilespmem:$0x8500] =	vst v63  }
0x20c: {  	v57 =	vperm.xlane v37, v13;
	v56 =	vadd.s32 v7, v55;
	s11 =	sld [smem:$0x773]  }
0x20d: {  	[tilespmem:s2], [sflag:$0x2] =	stream.indirect_vreg.gather [hbm4b:s4+s3], $0x80, v52, vm0, $0xb8;
	[tilespmem:$0x8500] =	vst v63  }
0x20e: {  	v59 =	vperm.xlane v37, v14;
	v58 =	vadd.s32 v7, v57;
	s2 =	sld [smem:$0x774]  }
0x20f: {  	[tilespmem:s11], [sflag:$0x2] =	stream.indirect_vreg.gather [hbm4b:s4+s3], $0x80, v54, vm0, $0xb8;
	[tilespmem:$0x8500] =	vst v63  }
0x210: {  	v61 =	vperm.xlane v37, v15;
	v60 =	vadd.s32 v7, v59;
	s11 =	sld [smem:$0x775]  }
0x211: {  	[tilespmem:s2], [sflag:$0x2] =	stream.indirect_vreg.gather [hbm4b:s4+s3], $0x80, v56, vm0, $0xb8;
	[tilespmem:$0x8500] =	vst v63  }
0x212: {  	v63 =	vperm.xlane v37, v17;
	v62 =	vadd.s32 v7, v61;
	s2 =	sld [smem:$0x776]  }
0x213: {  	[tilespmem:s11], [sflag:$0x2] =	stream.indirect_vreg.gather [hbm4b:s4+s3], $0x80, v58, vm0, $0xb8;
	[tilespmem:$0x8500] =	vst v63  }
0x214: {  	v44 =	vadd.s32 v7, v63;
	v45 =	vperm.xlane v37, v18;
	s11 =	sld [smem:$0x777]  }
0x215: {  	[tilespmem:s2], [sflag:$0x2] =	stream.indirect_vreg.gather [hbm4b:s4+s3], $0x80, v60, vm0, $0xb8;
	[tilespmem:$0x8500] =	vst v63  }
0x216: {  	v47 =	vperm.xlane v37, v19;
	v46 =	vadd.s32 v7, v45;
	s2 =	sld [smem:$0x778]  }
0x217: {  	[tilespmem:s11], [sflag:$0x2] =	stream.indirect_vreg.gather [hbm4b:s4+s3], $0x80, v62, vm0, $0xb8;
	[tilespmem:$0x8500] =	vst v63  }
0x218: {  	v37 =	vperm.xlane v37, v20;
	v48 =	vadd.s32 v7, v47;
	s11 =	sld [smem:$0x779]  }
0x219: {  	[tilespmem:s2], [sflag:$0x2] =	stream.indirect_vreg.gather [hbm4b:s4+s3], $0x80, v44, vm0, $0xb8;
	[tilespmem:$0x8500] =	vst v63  }
0x21a: {  	v37 =	vadd.s32 v7, v37;
	s2 =	sld [smem:$0x77A]  }
0x21b: {  	[tilespmem:s11], [sflag:$0x2] =	stream.indirect_vreg.gather [hbm4b:s4+s3], $0x80, v46, vm0, $0xb8;
	[tilespmem:$0x8500] =	vst v63  }
0x21c: {  	s11 =	sld [smem:$0x77B]  }
0x21d: {  	[tilespmem:s2], [sflag:$0x2] =	stream.indirect_vreg.gather [hbm4b:s4+s3], $0x80, v48, vm0, $0xb8;
	[tilespmem:$0x8500] =	vst v63  }
0x21e: {  	_ = 	snop  }
0x21f: {  	[tilespmem:s11], [sflag:$0x2] =	stream.indirect_vreg.gather [hbm4b:s4+s3], $0x80, v37, vm0, $0xb8;
	[tilespmem:$0x8500] =	vst v63  }
0x220: {  	v37 =	vld [tilespmem:$0x1B0];
	_ =	sdelay $0x4  }
0x221: {  	v49 =	vshll.u32 v37, $0x2  }
0x222: {  	v37 =	vand.u32 $0x7, v37;
	v38 =	vand.u32 $0xFFFFFFE0, v49  }
0x223: {  	v37 =	vor.u32 v37, v38  }
0x224: {  	v38 =	vperm.xlane v37, v6;
	_ =	sdelay $0x1  }
0x225: {  	v50 =	vperm.xlane v37, v8;
	v38 =	vadd.s32 v7, v38;
	_ =	sdelay $0x1  }
0x226: {  	s10 =	sld [smem:$0x77C];
	v51 =	vperm.xlane v37, v5;
	v39 =	vadd.s32 v7, v50;
	_ =	sdelay $0x1  }
0x227: {  	s11 =	sld [smem:$0x77D];
	v52 =	vperm.xlane v37, v9;
	v40 =	vadd.s32 v7, v51  }
0x228: {  	[tilespmem:s10], [sflag:$0x2] =	stream.indirect_vreg.gather [hbm4b:s4+s3], $0x80, v38, vm0, $0xb8;
	[tilespmem:$0x8500] =	vst v63  }
0x229: {  	s2 =	sld [smem:$0x77E];
	v54 =	vperm.xlane v37, v22;
	v53 =	vadd.s32 v7, v52  }
0x22a: {  	[tilespmem:s11], [sflag:$0x2] =	stream.indirect_vreg.gather [hbm4b:s4+s3], $0x80, v39, vm0, $0xb8;
	[tilespmem:$0x8500] =	vst v63  }
0x22b: {  	v56 =	vperm.xlane v37, v10;
	v55 =	vadd.s32 v7, v54;
	s11 =	sld [smem:$0x77F]  }
0x22c: {  	[tilespmem:s2], [sflag:$0x2] =	stream.indirect_vreg.gather [hbm4b:s4+s3], $0x80, v40, vm0, $0xb8;
	[tilespmem:$0x8500] =	vst v63  }
0x22d: {  	v58 =	vperm.xlane v37, v11;
	v57 =	vadd.s32 v7, v56;
	s2 =	sld [smem:$0x780]  }
0x22e: {  	[tilespmem:s11], [sflag:$0x2] =	stream.indirect_vreg.gather [hbm4b:s4+s3], $0x80, v53, vm0, $0xb8;
	[tilespmem:$0x8500] =	vst v63  }
0x22f: {  	v60 =	vperm.xlane v37, v4;
	v59 =	vadd.s32 v7, v58;
	s11 =	sld [smem:$0x781]  }
0x230: {  	[tilespmem:s2], [sflag:$0x2] =	stream.indirect_vreg.gather [hbm4b:s4+s3], $0x80, v55, vm0, $0xb8;
	[tilespmem:$0x8500] =	vst v63  }
0x231: {  	v62 =	vperm.xlane v37, v12;
	v61 =	vadd.s32 v7, v60;
	s2 =	sld [smem:$0x782]  }
0x232: {  	[tilespmem:s11], [sflag:$0x2] =	stream.indirect_vreg.gather [hbm4b:s4+s3], $0x80, v57, vm0, $0xb8;
	[tilespmem:$0x8500] =	vst v63  }
0x233: {  	v44 =	vperm.xlane v37, v13;
	v63 =	vadd.s32 v7, v62;
	s11 =	sld [smem:$0x783]  }
0x234: {  	[tilespmem:s2], [sflag:$0x2] =	stream.indirect_vreg.gather [hbm4b:s4+s3], $0x80, v59, vm0, $0xb8;
	[tilespmem:$0x8500] =	vst v63  }
0x235: {  	v46 =	vperm.xlane v37, v14;
	v45 =	vadd.s32 v7, v44;
	s2 =	sld [smem:$0x784]  }
0x236: {  	[tilespmem:s11], [sflag:$0x2] =	stream.indirect_vreg.gather [hbm4b:s4+s3], $0x80, v61, vm0, $0xb8;
	[tilespmem:$0x8500] =	vst v63  }
0x237: {  	v48 =	vperm.xlane v37, v15;
	v47 =	vadd.s32 v7, v46;
	s11 =	sld [smem:$0x785]  }
0x238: {  	[tilespmem:s2], [sflag:$0x2] =	stream.indirect_vreg.gather [hbm4b:s4+s3], $0x80, v63, vm0, $0xb8;
	[tilespmem:$0x8500] =	vst v63  }
0x239: {  	v49 =	vadd.s32 v7, v48;
	v50 =	vperm.xlane v37, v17;
	s2 =	sld [smem:$0x786]  }
0x23a: {  	[tilespmem:s11], [sflag:$0x2] =	stream.indirect_vreg.gather [hbm4b:s4+s3], $0x80, v45, vm0, $0xb8;
	[tilespmem:$0x8500] =	vst v63  }
0x23b: {  	v52 =	vperm.xlane v37, v18;
	v51 =	vadd.s32 v7, v50;
	s11 =	sld [smem:$0x787]  }
0x23c: {  	[tilespmem:s2], [sflag:$0x2] =	stream.indirect_vreg.gather [hbm4b:s4+s3], $0x80, v47, vm0, $0xb8;
	[tilespmem:$0x8500] =	vst v63  }
0x23d: {  	v54 =	vperm.xlane v37, v19;
	v53 =	vadd.s32 v7, v52;
	s2 =	sld [smem:$0x788]  }
0x23e: {  	[tilespmem:s11], [sflag:$0x2] =	stream.indirect_vreg.gather [hbm4b:s4+s3], $0x80, v49, vm0, $0xb8;
	[tilespmem:$0x8500] =	vst v63  }
0x23f: {  	v37 =	vperm.xlane v37, v20;
	v55 =	vadd.s32 v7, v54;
	s11 =	sld [smem:$0x789]  }
0x240: {  	[tilespmem:s2], [sflag:$0x2] =	stream.indirect_vreg.gather [hbm4b:s4+s3], $0x80, v51, vm0, $0xb8;
	[tilespmem:$0x8500] =	vst v63  }
0x241: {  	v37 =	vadd.s32 v7, v37;
	s2 =	sld [smem:$0x78A]  }
0x242: {  	[tilespmem:s11], [sflag:$0x2] =	stream.indirect_vreg.gather [hbm4b:s4+s3], $0x80, v53, vm0, $0xb8;
	[tilespmem:$0x8500] =	vst v63  }
0x243: {  	s11 =	sld [smem:$0x78B]  }
0x244: {  	[tilespmem:s2], [sflag:$0x2] =	stream.indirect_vreg.gather [hbm4b:s4+s3], $0x80, v55, vm0, $0xb8;
	[tilespmem:$0x8500] =	vst v63  }
0x245: {  	_ = 	snop  }
0x246: {  	[tilespmem:s11], [sflag:$0x2] =	stream.indirect_vreg.gather [hbm4b:s4+s3], $0x80, v37, vm0, $0xb8;
	[tilespmem:$0x8500] =	vst v63  }
0x247: {  	v37 =	vld [tilespmem:$0x20];
	_ =	sdelay $0x4  }
0x248: {  	v56 =	vadd.s32 v0, v37  }
0x249: {  	v57 =	vshll.u32 v56, $0x2  }
0x24a: {  	v40 =	vld [tilespmem:$0x20];
	v37 =	vand.u32 $0x7, v37;
	v39 =	vand.u32 $0xFFFFFFE0, v57  }
0x24b: {  	v58 =	vld [tilespmem:$0x20];
	v37 =	vor.u32 v37, v39  }
0x24c: {  	v59 =	vld [tilespmem:$0x20];
	v60 =	vperm.xlane v37, v6;
	_ =	sdelay $0x1  }
0x24d: {  	v61 =	vperm.xlane v37, v8;
	v42 =	vadd.s32 v7, v60  }
0x24e: {  	v62 =	vadd.s32 v1, v40;
	[tilespmem:$0x200] =	vst v56  }
0x24f: {  	v63 =	vadd.s32 v2, v58;
	[tilespmem:$0x210] =	vst v62;
	v45 =	vperm.xlane v37, v5;
	v44 =	vadd.s32 v7, v61  }
0x250: {  	v46 =	vadd.s32 v3, v59;
	[tilespmem:$0x220] =	vst v63  }
0x251: {  	s11 =	sld [smem:$0x78C];
	[tilespmem:$0x230] =	vst v46;
	v48 =	vperm.xlane v37, v9;
	v47 =	vadd.s32 v7, v45  }
0x252: {  	[tilespmem:s26], [sflag:$0x3] =	stream.indirect_vreg.gather [hbm4b:s5+s3], $0x80, v42, vm0, $0xb8;
	[tilespmem:$0x8500] =	vst v63  }
0x253: {  	s10 =	sld [smem:$0x78D];
	v49 =	vperm.xlane v37, v22;
	v39 =	vadd.s32 v7, v48  }
0x254: {  	[tilespmem:s11], [sflag:$0x3] =	stream.indirect_vreg.gather [hbm4b:s5+s3], $0x80, v44, vm0, $0xb8;
	[tilespmem:$0x8500] =	vst v63  }
0x255: {  	v51 =	vperm.xlane v37, v10;
	v50 =	vadd.s32 v7, v49;
	s11 =	sld [smem:$0x78E]  }
0x256: {  	[tilespmem:s10], [sflag:$0x3] =	stream.indirect_vreg.gather [hbm4b:s5+s3], $0x80, v47, vm0, $0xb8;
	[tilespmem:$0x8500] =	vst v63  }
0x257: {  	v53 =	vperm.xlane v37, v11;
	v52 =	vadd.s32 v7, v51;
	s10 =	sld [smem:$0x78F]  }
0x258: {  	[tilespmem:s11], [sflag:$0x3] =	stream.indirect_vreg.gather [hbm4b:s5+s3], $0x80, v39, vm0, $0xb8;
	[tilespmem:$0x8500] =	vst v63  }
0x259: {  	v55 =	vperm.xlane v37, v4;
	v54 =	vadd.s32 v7, v53;
	s11 =	sld [smem:$0x790]  }
0x25a: {  	[tilespmem:s10], [sflag:$0x3] =	stream.indirect_vreg.gather [hbm4b:s5+s3], $0x80, v50, vm0, $0xb8;
	[tilespmem:$0x8500] =	vst v63  }
0x25b: {  	v57 =	vperm.xlane v37, v12;
	v56 =	vadd.s32 v7, v55;
	s10 =	sld [smem:$0x791]  }
0x25c: {  	[tilespmem:s11], [sflag:$0x3] =	stream.indirect_vreg.gather [hbm4b:s5+s3], $0x80, v52, vm0, $0xb8;
	[tilespmem:$0x8500] =	vst v63  }
0x25d: {  	v59 =	vperm.xlane v37, v13;
	v58 =	vadd.s32 v7, v57;
	s11 =	sld [smem:$0x792]  }
0x25e: {  	[tilespmem:s10], [sflag:$0x3] =	stream.indirect_vreg.gather [hbm4b:s5+s3], $0x80, v54, vm0, $0xb8;
	[tilespmem:$0x8500] =	vst v63  }
0x25f: {  	v60 =	vadd.s32 v7, v59;
	v61 =	vperm.xlane v37, v14;
	s10 =	sld [smem:$0x793]  }
0x260: {  	[tilespmem:s11], [sflag:$0x3] =	stream.indirect_vreg.gather [hbm4b:s5+s3], $0x80, v56, vm0, $0xb8;
	[tilespmem:$0x8500] =	vst v63  }
0x261: {  	v63 =	vperm.xlane v37, v15;
	v62 =	vadd.s32 v7, v61;
	s11 =	sld [smem:$0x794]  }
0x262: {  	[tilespmem:s10], [sflag:$0x3] =	stream.indirect_vreg.gather [hbm4b:s5+s3], $0x80, v58, vm0, $0xb8;
	[tilespmem:$0x8500] =	vst v63  }
0x263: {  	v45 =	vperm.xlane v37, v17;
	v44 =	vadd.s32 v7, v63;
	s10 =	sld [smem:$0x795]  }
0x264: {  	[tilespmem:s11], [sflag:$0x3] =	stream.indirect_vreg.gather [hbm4b:s5+s3], $0x80, v60, vm0, $0xb8;
	[tilespmem:$0x8500] =	vst v63  }
0x265: {  	v46 =	vadd.s32 v7, v45;
	v47 =	vperm.xlane v37, v18;
	s11 =	sld [smem:$0x796]  }
0x266: {  	[tilespmem:s10], [sflag:$0x3] =	stream.indirect_vreg.gather [hbm4b:s5+s3], $0x80, v62, vm0, $0xb8;
	[tilespmem:$0x8500] =	vst v63  }
0x267: {  	v49 =	vperm.xlane v37, v19;
	v48 =	vadd.s32 v7, v47;
	s10 =	sld [smem:$0x797]  }
0x268: {  	[tilespmem:s11], [sflag:$0x3] =	stream.indirect_vreg.gather [hbm4b:s5+s3], $0x80, v44, vm0, $0xb8;
	[tilespmem:$0x8500] =	vst v63  }
0x269: {  	v37 =	vperm.xlane v37, v20;
	v50 =	vadd.s32 v7, v49;
	s11 =	sld [smem:$0x798]  }
0x26a: {  	[tilespmem:s10], [sflag:$0x3] =	stream.indirect_vreg.gather [hbm4b:s5+s3], $0x80, v46, vm0, $0xb8;
	[tilespmem:$0x8500] =	vst v63  }
0x26b: {  	v37 =	vadd.s32 v7, v37;
	s10 =	sld [smem:$0x799]  }
0x26c: {  	[tilespmem:s11], [sflag:$0x3] =	stream.indirect_vreg.gather [hbm4b:s5+s3], $0x80, v48, vm0, $0xb8;
	[tilespmem:$0x8500] =	vst v63  }
0x26d: {  	s11 =	sld [smem:$0x79A]  }
0x26e: {  	[tilespmem:s10], [sflag:$0x3] =	stream.indirect_vreg.gather [hbm4b:s5+s3], $0x80, v50, vm0, $0xb8;
	[tilespmem:$0x8500] =	vst v63  }
0x26f: {  	_ = 	snop  }
0x270: {  	[tilespmem:s11], [sflag:$0x3] =	stream.indirect_vreg.gather [hbm4b:s5+s3], $0x80, v37, vm0, $0xb8;
	[tilespmem:$0x8500] =	vst v63  }
0x271: {  	v37 =	vld [tilespmem:$0x210];
	_ =	sdelay $0x4  }
0x272: {  	v51 =	vshll.u32 v37, $0x2  }
0x273: {  	v37 =	vand.u32 $0x7, v37;
	v38 =	vand.u32 $0xFFFFFFE0, v51  }
0x274: {  	v37 =	vor.u32 v37, v38  }
0x275: {  	v38 =	vperm.xlane v37, v6;
	_ =	sdelay $0x1  }
0x276: {  	v52 =	vperm.xlane v37, v8;
	v38 =	vadd.s32 v7, v38;
	_ =	sdelay $0x1  }
0x277: {  	s10 =	sld [smem:$0x79B];
	v53 =	vperm.xlane v37, v5;
	v39 =	vadd.s32 v7, v52;
	_ =	sdelay $0x1  }
0x278: {  	s11 =	sld [smem:$0x79C];
	v54 =	vperm.xlane v37, v9;
	v40 =	vadd.s32 v7, v53  }
0x279: {  	[tilespmem:s10], [sflag:$0x3] =	stream.indirect_vreg.gather [hbm4b:s5+s3], $0x80, v38, vm0, $0xb8;
	[tilespmem:$0x8500] =	vst v63  }
0x27a: {  	s2 =	sld [smem:$0x79D];
	v56 =	vperm.xlane v37, v22;
	v55 =	vadd.s32 v7, v54  }
0x27b: {  	[tilespmem:s11], [sflag:$0x3] =	stream.indirect_vreg.gather [hbm4b:s5+s3], $0x80, v39, vm0, $0xb8;
	[tilespmem:$0x8500] =	vst v63  }
0x27c: {  	v58 =	vperm.xlane v37, v10;
	v57 =	vadd.s32 v7, v56;
	s11 =	sld [smem:$0x79E]  }
0x27d: {  	[tilespmem:s2], [sflag:$0x3] =	stream.indirect_vreg.gather [hbm4b:s5+s3], $0x80, v40, vm0, $0xb8;
	[tilespmem:$0x8500] =	vst v63  }
0x27e: {  	v60 =	vperm.xlane v37, v11;
	v59 =	vadd.s32 v7, v58;
	s2 =	sld [smem:$0x79F]  }
0x27f: {  	[tilespmem:s11], [sflag:$0x3] =	stream.indirect_vreg.gather [hbm4b:s5+s3], $0x80, v55, vm0, $0xb8;
	[tilespmem:$0x8500] =	vst v63  }
0x280: {  	v62 =	vperm.xlane v37, v4;
	v61 =	vadd.s32 v7, v60;
	s11 =	sld [smem:$0x7A0]  }
0x281: {  	[tilespmem:s2], [sflag:$0x3] =	stream.indirect_vreg.gather [hbm4b:s5+s3], $0x80, v57, vm0, $0xb8;
	[tilespmem:$0x8500] =	vst v63  }
0x282: {  	v44 =	vperm.xlane v37, v12;
	v63 =	vadd.s32 v7, v62;
	s2 =	sld [smem:$0x7A1]  }
0x283: {  	[tilespmem:s11], [sflag:$0x3] =	stream.indirect_vreg.gather [hbm4b:s5+s3], $0x80, v59, vm0, $0xb8;
	[tilespmem:$0x8500] =	vst v63  }
0x284: {  	v46 =	vperm.xlane v37, v13;
	v45 =	vadd.s32 v7, v44;
	s11 =	sld [smem:$0x7A2]  }
0x285: {  	[tilespmem:s2], [sflag:$0x3] =	stream.indirect_vreg.gather [hbm4b:s5+s3], $0x80, v61, vm0, $0xb8;
	[tilespmem:$0x8500] =	vst v63  }
0x286: {  	v48 =	vperm.xlane v37, v14;
	v47 =	vadd.s32 v7, v46;
	s2 =	sld [smem:$0x7A3]  }
0x287: {  	[tilespmem:s11], [sflag:$0x3] =	stream.indirect_vreg.gather [hbm4b:s5+s3], $0x80, v63, vm0, $0xb8;
	[tilespmem:$0x8500] =	vst v63  }
0x288: {  	v50 =	vperm.xlane v37, v15;
	v49 =	vadd.s32 v7, v48;
	s11 =	sld [smem:$0x7A4]  }
0x289: {  	[tilespmem:s2], [sflag:$0x3] =	stream.indirect_vreg.gather [hbm4b:s5+s3], $0x80, v45, vm0, $0xb8;
	[tilespmem:$0x8500] =	vst v63  }
0x28a: {  	v51 =	vadd.s32 v7, v50;
	v52 =	vperm.xlane v37, v17;
	s2 =	sld [smem:$0x7A5]  }
0x28b: {  	[tilespmem:s11], [sflag:$0x3] =	stream.indirect_vreg.gather [hbm4b:s5+s3], $0x80, v47, vm0, $0xb8;
	[tilespmem:$0x8500] =	vst v63  }
0x28c: {  	v54 =	vperm.xlane v37, v18;
	v53 =	vadd.s32 v7, v52;
	s11 =	sld [smem:$0x7A6]  }
0x28d: {  	[tilespmem:s2], [sflag:$0x3] =	stream.indirect_vreg.gather [hbm4b:s5+s3], $0x80, v49, vm0, $0xb8;
	[tilespmem:$0x8500] =	vst v63  }
0x28e: {  	v56 =	vperm.xlane v37, v19;
	v55 =	vadd.s32 v7, v54;
	s2 =	sld [smem:$0x7A7]  }
0x28f: {  	[tilespmem:s11], [sflag:$0x3] =	stream.indirect_vreg.gather [hbm4b:s5+s3], $0x80, v51, vm0, $0xb8;
	[tilespmem:$0x8500] =	vst v63  }
0x290: {  	v37 =	vperm.xlane v37, v20;
	v57 =	vadd.s32 v7, v56;
	s11 =	sld [smem:$0x7A8]  }
0x291: {  	[tilespmem:s2], [sflag:$0x3] =	stream.indirect_vreg.gather [hbm4b:s5+s3], $0x80, v53, vm0, $0xb8;
	[tilespmem:$0x8500] =	vst v63  }
0x292: {  	v37 =	vadd.s32 v7, v37;
	s2 =	sld [smem:$0x7A9]  }
0x293: {  	[tilespmem:s11], [sflag:$0x3] =	stream.indirect_vreg.gather [hbm4b:s5+s3], $0x80, v55, vm0, $0xb8;
	[tilespmem:$0x8500] =	vst v63  }
0x294: {  	s11 =	sld [smem:$0x7AA]  }
0x295: {  	[tilespmem:s2], [sflag:$0x3] =	stream.indirect_vreg.gather [hbm4b:s5+s3], $0x80, v57, vm0, $0xb8;
	[tilespmem:$0x8500] =	vst v63  }
0x296: {  	_ = 	snop  }
0x297: {  	[tilespmem:s11], [sflag:$0x3] =	stream.indirect_vreg.gather [hbm4b:s5+s3], $0x80, v37, vm0, $0xb8;
	[tilespmem:$0x8500] =	vst v63  }
0x298: {  	v37 =	vld [tilespmem:$0x220];
	_ =	sdelay $0x4  }
0x299: {  	v58 =	vshll.u32 v37, $0x2  }
0x29a: {  	v37 =	vand.u32 $0x7, v37;
	v38 =	vand.u32 $0xFFFFFFE0, v58  }
0x29b: {  	v37 =	vor.u32 v37, v38  }
0x29c: {  	v38 =	vperm.xlane v37, v6;
	_ =	sdelay $0x1  }
0x29d: {  	v59 =	vperm.xlane v37, v8;
	v38 =	vadd.s32 v7, v38;
	_ =	sdelay $0x1  }
0x29e: {  	s10 =	sld [smem:$0x7AB];
	v60 =	vperm.xlane v37, v5;
	v39 =	vadd.s32 v7, v59;
	_ =	sdelay $0x1  }
0x29f: {  	s11 =	sld [smem:$0x7AC];
	v61 =	vperm.xlane v37, v9;
	v40 =	vadd.s32 v7, v60  }
0x2a0: {  	[tilespmem:s10], [sflag:$0x3] =	stream.indirect_vreg.gather [hbm4b:s5+s3], $0x80, v38, vm0, $0xb8;
	[tilespmem:$0x8500] =	vst v63  }
0x2a1: {  	s2 =	sld [smem:$0x7AD];
	v63 =	vperm.xlane v37, v22;
	v62 =	vadd.s32 v7, v61  }
0x2a2: {  	[tilespmem:s11], [sflag:$0x3] =	stream.indirect_vreg.gather [hbm4b:s5+s3], $0x80, v39, vm0, $0xb8;
	[tilespmem:$0x8500] =	vst v63  }
0x2a3: {  	v45 =	vperm.xlane v37, v10;
	v44 =	vadd.s32 v7, v63;
	s11 =	sld [smem:$0x7AE]  }
0x2a4: {  	[tilespmem:s2], [sflag:$0x3] =	stream.indirect_vreg.gather [hbm4b:s5+s3], $0x80, v40, vm0, $0xb8;
	[tilespmem:$0x8500] =	vst v63  }
0x2a5: {  	v47 =	vperm.xlane v37, v11;
	v46 =	vadd.s32 v7, v45;
	s2 =	sld [smem:$0x7AF]  }
0x2a6: {  	[tilespmem:s11], [sflag:$0x3] =	stream.indirect_vreg.gather [hbm4b:s5+s3], $0x80, v62, vm0, $0xb8;
	[tilespmem:$0x8500] =	vst v63  }
0x2a7: {  	v49 =	vperm.xlane v37, v4;
	v48 =	vadd.s32 v7, v47;
	s11 =	sld [smem:$0x7B0]  }
0x2a8: {  	[tilespmem:s2], [sflag:$0x3] =	stream.indirect_vreg.gather [hbm4b:s5+s3], $0x80, v44, vm0, $0xb8;
	[tilespmem:$0x8500] =	vst v63  }
0x2a9: {  	v51 =	vperm.xlane v37, v12;
	v50 =	vadd.s32 v7, v49;
	s2 =	sld [smem:$0x7B1]  }
0x2aa: {  	[tilespmem:s11], [sflag:$0x3] =	stream.indirect_vreg.gather [hbm4b:s5+s3], $0x80, v46, vm0, $0xb8;
	[tilespmem:$0x8500] =	vst v63  }
0x2ab: {  	v53 =	vperm.xlane v37, v13;
	v52 =	vadd.s32 v7, v51;
	s11 =	sld [smem:$0x7B2]  }
0x2ac: {  	[tilespmem:s2], [sflag:$0x3] =	stream.indirect_vreg.gather [hbm4b:s5+s3], $0x80, v48, vm0, $0xb8;
	[tilespmem:$0x8500] =	vst v63  }
0x2ad: {  	v55 =	vperm.xlane v37, v14;
	v54 =	vadd.s32 v7, v53;
	s2 =	sld [smem:$0x7B3]  }
0x2ae: {  	[tilespmem:s11], [sflag:$0x3] =	stream.indirect_vreg.gather [hbm4b:s5+s3], $0x80, v50, vm0, $0xb8;
	[tilespmem:$0x8500] =	vst v63  }
0x2af: {  	v57 =	vperm.xlane v37, v15;
	v56 =	vadd.s32 v7, v55;
	s11 =	sld [smem:$0x7B4]  }
0x2b0: {  	[tilespmem:s2], [sflag:$0x3] =	stream.indirect_vreg.gather [hbm4b:s5+s3], $0x80, v52, vm0, $0xb8;
	[tilespmem:$0x8500] =	vst v63  }
0x2b1: {  	v58 =	vadd.s32 v7, v57;
	v59 =	vperm.xlane v37, v17;
	s2 =	sld [smem:$0x7B5]  }
0x2b2: {  	[tilespmem:s11], [sflag:$0x3] =	stream.indirect_vreg.gather [hbm4b:s5+s3], $0x80, v54, vm0, $0xb8;
	[tilespmem:$0x8500] =	vst v63  }
0x2b3: {  	v61 =	vperm.xlane v37, v18;
	v60 =	vadd.s32 v7, v59;
	s11 =	sld [smem:$0x7B6]  }
0x2b4: {  	[tilespmem:s2], [sflag:$0x3] =	stream.indirect_vreg.gather [hbm4b:s5+s3], $0x80, v56, vm0, $0xb8;
	[tilespmem:$0x8500] =	vst v63  }
0x2b5: {  	v63 =	vperm.xlane v37, v19;
	v62 =	vadd.s32 v7, v61;
	s2 =	sld [smem:$0x7B7]  }
0x2b6: {  	[tilespmem:s11], [sflag:$0x3] =	stream.indirect_vreg.gather [hbm4b:s5+s3], $0x80, v58, vm0, $0xb8;
	[tilespmem:$0x8500] =	vst v63  }
0x2b7: {  	v37 =	vperm.xlane v37, v20;
	v44 =	vadd.s32 v7, v63;
	s11 =	sld [smem:$0x7B8]  }
0x2b8: {  	[tilespmem:s2], [sflag:$0x3] =	stream.indirect_vreg.gather [hbm4b:s5+s3], $0x80, v60, vm0, $0xb8;
	[tilespmem:$0x8500] =	vst v63  }
0x2b9: {  	v37 =	vadd.s32 v7, v37;
	s2 =	sld [smem:$0x7B9]  }
0x2ba: {  	[tilespmem:s11], [sflag:$0x3] =	stream.indirect_vreg.gather [hbm4b:s5+s3], $0x80, v62, vm0, $0xb8;
	[tilespmem:$0x8500] =	vst v63  }
0x2bb: {  	s11 =	sld [smem:$0x7BA]  }
0x2bc: {  	[tilespmem:s2], [sflag:$0x3] =	stream.indirect_vreg.gather [hbm4b:s5+s3], $0x80, v44, vm0, $0xb8;
	[tilespmem:$0x8500] =	vst v63  }
0x2bd: {  	_ = 	snop  }
0x2be: {  	[tilespmem:s11], [sflag:$0x3] =	stream.indirect_vreg.gather [hbm4b:s5+s3], $0x80, v37, vm0, $0xb8;
	[tilespmem:$0x8500] =	vst v63  }
0x2bf: {  	v37 =	vld [tilespmem:$0x230];
	_ =	sdelay $0x4  }
0x2c0: {  	v45 =	vshll.u32 v37, $0x2  }
0x2c1: {  	v37 =	vand.u32 $0x7, v37;
	v38 =	vand.u32 $0xFFFFFFE0, v45  }
0x2c2: {  	v37 =	vor.u32 v37, v38  }
0x2c3: {  	v38 =	vperm.xlane v37, v6;
	_ =	sdelay $0x1  }
0x2c4: {  	v46 =	vperm.xlane v37, v8;
	v38 =	vadd.s32 v7, v38;
	_ =	sdelay $0x1  }
0x2c5: {  	s10 =	sld [smem:$0x7BB];
	v47 =	vperm.xlane v37, v5;
	v39 =	vadd.s32 v7, v46;
	_ =	sdelay $0x1  }
0x2c6: {  	s11 =	sld [smem:$0x7BC];
	v48 =	vperm.xlane v37, v9;
	v40 =	vadd.s32 v7, v47  }
0x2c7: {  	[tilespmem:s10], [sflag:$0x3] =	stream.indirect_vreg.gather [hbm4b:s5+s3], $0x80, v38, vm0, $0xb8;
	[tilespmem:$0x8500] =	vst v63  }
0x2c8: {  	s2 =	sld [smem:$0x7BD];
	v50 =	vperm.xlane v37, v22;
	v49 =	vadd.s32 v7, v48  }
0x2c9: {  	[tilespmem:s11], [sflag:$0x3] =	stream.indirect_vreg.gather [hbm4b:s5+s3], $0x80, v39, vm0, $0xb8;
	[tilespmem:$0x8500] =	vst v63  }
0x2ca: {  	v52 =	vperm.xlane v37, v10;
	v51 =	vadd.s32 v7, v50;
	s11 =	sld [smem:$0x7BE]  }
0x2cb: {  	[tilespmem:s2], [sflag:$0x3] =	stream.indirect_vreg.gather [hbm4b:s5+s3], $0x80, v40, vm0, $0xb8;
	[tilespmem:$0x8500] =	vst v63  }
0x2cc: {  	v54 =	vperm.xlane v37, v11;
	v53 =	vadd.s32 v7, v52;
	s2 =	sld [smem:$0x7BF]  }
0x2cd: {  	[tilespmem:s11], [sflag:$0x3] =	stream.indirect_vreg.gather [hbm4b:s5+s3], $0x80, v49, vm0, $0xb8;
	[tilespmem:$0x8500] =	vst v63  }
0x2ce: {  	v56 =	vperm.xlane v37, v4;
	v55 =	vadd.s32 v7, v54;
	s11 =	sld [smem:$0x7C0]  }
0x2cf: {  	[tilespmem:s2], [sflag:$0x3] =	stream.indirect_vreg.gather [hbm4b:s5+s3], $0x80, v51, vm0, $0xb8;
	[tilespmem:$0x8500] =	vst v63  }
0x2d0: {  	v58 =	vperm.xlane v37, v12;
	v57 =	vadd.s32 v7, v56;
	s2 =	sld [smem:$0x7C1]  }
0x2d1: {  	[tilespmem:s11], [sflag:$0x3] =	stream.indirect_vreg.gather [hbm4b:s5+s3], $0x80, v53, vm0, $0xb8;
	[tilespmem:$0x8500] =	vst v63  }
0x2d2: {  	v60 =	vperm.xlane v37, v13;
	v59 =	vadd.s32 v7, v58;
	s11 =	sld [smem:$0x7C2]  }
0x2d3: {  	[tilespmem:s2], [sflag:$0x3] =	stream.indirect_vreg.gather [hbm4b:s5+s3], $0x80, v55, vm0, $0xb8;
	[tilespmem:$0x8500] =	vst v63  }
0x2d4: {  	v62 =	vperm.xlane v37, v14;
	v61 =	vadd.s32 v7, v60;
	s2 =	sld [smem:$0x7C3]  }
0x2d5: {  	[tilespmem:s11], [sflag:$0x3] =	stream.indirect_vreg.gather [hbm4b:s5+s3], $0x80, v57, vm0, $0xb8;
	[tilespmem:$0x8500] =	vst v63  }
0x2d6: {  	v44 =	vperm.xlane v37, v15;
	v63 =	vadd.s32 v7, v62;
	s11 =	sld [smem:$0x7C4]  }
0x2d7: {  	[tilespmem:s2], [sflag:$0x3] =	stream.indirect_vreg.gather [hbm4b:s5+s3], $0x80, v59, vm0, $0xb8;
	[tilespmem:$0x8500] =	vst v63  }
0x2d8: {  	v45 =	vadd.s32 v7, v44;
	v46 =	vperm.xlane v37, v17;
	s2 =	sld [smem:$0x7C5]  }
0x2d9: {  	[tilespmem:s11], [sflag:$0x3] =	stream.indirect_vreg.gather [hbm4b:s5+s3], $0x80, v61, vm0, $0xb8;
	[tilespmem:$0x8500] =	vst v63  }
0x2da: {  	v48 =	vperm.xlane v37, v18;
	v47 =	vadd.s32 v7, v46;
	s11 =	sld [smem:$0x7C6]  }
0x2db: {  	[tilespmem:s2], [sflag:$0x3] =	stream.indirect_vreg.gather [hbm4b:s5+s3], $0x80, v63, vm0, $0xb8;
	[tilespmem:$0x8500] =	vst v63  }
0x2dc: {  	v50 =	vperm.xlane v37, v19;
	v49 =	vadd.s32 v7, v48;
	s2 =	sld [smem:$0x7C7]  }
0x2dd: {  	[tilespmem:s11], [sflag:$0x3] =	stream.indirect_vreg.gather [hbm4b:s5+s3], $0x80, v45, vm0, $0xb8;
	[tilespmem:$0x8500] =	vst v63  }
0x2de: {  	v37 =	vperm.xlane v37, v20;
	v51 =	vadd.s32 v7, v50;
	s11 =	sld [smem:$0x7C8]  }
0x2df: {  	[tilespmem:s2], [sflag:$0x3] =	stream.indirect_vreg.gather [hbm4b:s5+s3], $0x80, v47, vm0, $0xb8;
	[tilespmem:$0x8500] =	vst v63  }
0x2e0: {  	v37 =	vadd.s32 v7, v37;
	s2 =	sld [smem:$0x7C9]  }
0x2e1: {  	[tilespmem:s11], [sflag:$0x3] =	stream.indirect_vreg.gather [hbm4b:s5+s3], $0x80, v49, vm0, $0xb8;
	[tilespmem:$0x8500] =	vst v63  }
0x2e2: {  	s11 =	sld [smem:$0x7CA]  }
0x2e3: {  	[tilespmem:s2], [sflag:$0x3] =	stream.indirect_vreg.gather [hbm4b:s5+s3], $0x80, v51, vm0, $0xb8;
	[tilespmem:$0x8500] =	vst v63  }
0x2e4: {  	_ = 	snop  }
0x2e5: {  	[tilespmem:s11], [sflag:$0x3] =	stream.indirect_vreg.gather [hbm4b:s5+s3], $0x80, v37, vm0, $0xb8;
	[tilespmem:$0x8500] =	vst v63  }
0x2e6: {  	v37 =	vld [tilespmem:$0x30];
	_ =	sdelay $0x4  }
0x2e7: {  	v52 =	vadd.s32 v0, v37  }
0x2e8: {  	v53 =	vshll.u32 v52, $0x2  }
0x2e9: {  	v40 =	vld [tilespmem:$0x30];
	v37 =	vand.u32 $0x7, v37;
	v39 =	vand.u32 $0xFFFFFFE0, v53  }
0x2ea: {  	v54 =	vld [tilespmem:$0x30];
	v37 =	vor.u32 v37, v39  }
0x2eb: {  	v55 =	vld [tilespmem:$0x30];
	v56 =	vperm.xlane v37, v6;
	_ =	sdelay $0x1  }
0x2ec: {  	v57 =	vperm.xlane v37, v8;
	v42 =	vadd.s32 v7, v56  }
0x2ed: {  	v58 =	vadd.s32 v1, v40;
	[tilespmem:$0x280] =	vst v52  }
0x2ee: {  	v59 =	vadd.s32 v2, v54;
	[tilespmem:$0x290] =	vst v58;
	v61 =	vperm.xlane v37, v5;
	v60 =	vadd.s32 v7, v57  }
0x2ef: {  	v62 =	vadd.s32 v3, v55;
	[tilespmem:$0x2A0] =	vst v59  }
0x2f0: {  	s11 =	sld [smem:$0x7CB];
	[tilespmem:$0x2B0] =	vst v62;
	v44 =	vperm.xlane v37, v9;
	v63 =	vadd.s32 v7, v61  }
0x2f1: {  	[tilespmem:s28], [sflag:$0x4] =	stream.indirect_vreg.gather [hbm4b:s6+s3], $0x80, v42, vm0, $0xb8;
	[tilespmem:$0x8500] =	vst v63  }
0x2f2: {  	s10 =	sld [smem:$0x7CC];
	v45 =	vperm.xlane v37, v22;
	v39 =	vadd.s32 v7, v44  }
0x2f3: {  	[tilespmem:s11], [sflag:$0x4] =	stream.indirect_vreg.gather [hbm4b:s6+s3], $0x80, v60, vm0, $0xb8;
	[tilespmem:$0x8500] =	vst v63  }
0x2f4: {  	v47 =	vperm.xlane v37, v10;
	v46 =	vadd.s32 v7, v45;
	s11 =	sld [smem:$0x7CD]  }
0x2f5: {  	[tilespmem:s10], [sflag:$0x4] =	stream.indirect_vreg.gather [hbm4b:s6+s3], $0x80, v63, vm0, $0xb8;
	[tilespmem:$0x8500] =	vst v63  }
0x2f6: {  	v49 =	vperm.xlane v37, v11;
	v48 =	vadd.s32 v7, v47;
	s10 =	sld [smem:$0x7CE]  }
0x2f7: {  	[tilespmem:s11], [sflag:$0x4] =	stream.indirect_vreg.gather [hbm4b:s6+s3], $0x80, v39, vm0, $0xb8;
	[tilespmem:$0x8500] =	vst v63  }
0x2f8: {  	v51 =	vperm.xlane v37, v4;
	v50 =	vadd.s32 v7, v49;
	s11 =	sld [smem:$0x7CF]  }
0x2f9: {  	[tilespmem:s10], [sflag:$0x4] =	stream.indirect_vreg.gather [hbm4b:s6+s3], $0x80, v46, vm0, $0xb8;
	[tilespmem:$0x8500] =	vst v63  }
0x2fa: {  	v53 =	vperm.xlane v37, v12;
	v52 =	vadd.s32 v7, v51;
	s10 =	sld [smem:$0x7D0]  }
0x2fb: {  	[tilespmem:s11], [sflag:$0x4] =	stream.indirect_vreg.gather [hbm4b:s6+s3], $0x80, v48, vm0, $0xb8;
	[tilespmem:$0x8500] =	vst v63  }
0x2fc: {  	v55 =	vperm.xlane v37, v13;
	v54 =	vadd.s32 v7, v53;
	s11 =	sld [smem:$0x7D1]  }
0x2fd: {  	[tilespmem:s10], [sflag:$0x4] =	stream.indirect_vreg.gather [hbm4b:s6+s3], $0x80, v50, vm0, $0xb8;
	[tilespmem:$0x8500] =	vst v63  }
0x2fe: {  	v56 =	vadd.s32 v7, v55;
	v57 =	vperm.xlane v37, v14;
	s10 =	sld [smem:$0x7D2]  }
0x2ff: {  	[tilespmem:s11], [sflag:$0x4] =	stream.indirect_vreg.gather [hbm4b:s6+s3], $0x80, v52, vm0, $0xb8;
	[tilespmem:$0x8500] =	vst v63  }
0x300: {  	v59 =	vperm.xlane v37, v15;
	v58 =	vadd.s32 v7, v57;
	s11 =	sld [smem:$0x7D3]  }
0x301: {  	[tilespmem:s10], [sflag:$0x4] =	stream.indirect_vreg.gather [hbm4b:s6+s3], $0x80, v54, vm0, $0xb8;
	[tilespmem:$0x8500] =	vst v63  }
0x302: {  	v61 =	vperm.xlane v37, v17;
	v60 =	vadd.s32 v7, v59;
	s10 =	sld [smem:$0x7D4]  }
0x303: {  	[tilespmem:s11], [sflag:$0x4] =	stream.indirect_vreg.gather [hbm4b:s6+s3], $0x80, v56, vm0, $0xb8;
	[tilespmem:$0x8500] =	vst v63  }
0x304: {  	v62 =	vadd.s32 v7, v61;
	v63 =	vperm.xlane v37, v18;
	s11 =	sld [smem:$0x7D5]  }
0x305: {  	[tilespmem:s10], [sflag:$0x4] =	stream.indirect_vreg.gather [hbm4b:s6+s3], $0x80, v58, vm0, $0xb8;
	[tilespmem:$0x8500] =	vst v63  }
0x306: {  	v45 =	vperm.xlane v37, v19;
	v44 =	vadd.s32 v7, v63;
	s10 =	sld [smem:$0x7D6]  }
0x307: {  	[tilespmem:s11], [sflag:$0x4] =	stream.indirect_vreg.gather [hbm4b:s6+s3], $0x80, v60, vm0, $0xb8;
	[tilespmem:$0x8500] =	vst v63  }
0x308: {  	v37 =	vperm.xlane v37, v20;
	v46 =	vadd.s32 v7, v45;
	s11 =	sld [smem:$0x7D7]  }
0x309: {  	[tilespmem:s10], [sflag:$0x4] =	stream.indirect_vreg.gather [hbm4b:s6+s3], $0x80, v62, vm0, $0xb8;
	[tilespmem:$0x8500] =	vst v63  }
0x30a: {  	v37 =	vadd.s32 v7, v37;
	s10 =	sld [smem:$0x7D8]  }
0x30b: {  	[tilespmem:s11], [sflag:$0x4] =	stream.indirect_vreg.gather [hbm4b:s6+s3], $0x80, v44, vm0, $0xb8;
	[tilespmem:$0x8500] =	vst v63  }
0x30c: {  	s11 =	sld [smem:$0x7D9]  }
0x30d: {  	[tilespmem:s10], [sflag:$0x4] =	stream.indirect_vreg.gather [hbm4b:s6+s3], $0x80, v46, vm0, $0xb8;
	[tilespmem:$0x8500] =	vst v63  }
0x30e: {  	_ = 	snop  }
0x30f: {  	[tilespmem:s11], [sflag:$0x4] =	stream.indirect_vreg.gather [hbm4b:s6+s3], $0x80, v37, vm0, $0xb8;
	[tilespmem:$0x8500] =	vst v63  }
0x310: {  	v37 =	vld [tilespmem:$0x290];
	_ =	sdelay $0x4  }
0x311: {  	v47 =	vshll.u32 v37, $0x2  }
0x312: {  	v37 =	vand.u32 $0x7, v37;
	v38 =	vand.u32 $0xFFFFFFE0, v47  }
0x313: {  	v37 =	vor.u32 v37, v38  }
0x314: {  	v38 =	vperm.xlane v37, v6;
	_ =	sdelay $0x1  }
0x315: {  	v48 =	vperm.xlane v37, v8;
	v38 =	vadd.s32 v7, v38;
	_ =	sdelay $0x1  }
0x316: {  	s10 =	sld [smem:$0x7DA];
	v49 =	vperm.xlane v37, v5;
	v39 =	vadd.s32 v7, v48;
	_ =	sdelay $0x1  }
0x317: {  	s11 =	sld [smem:$0x7DB];
	v50 =	vperm.xlane v37, v9;
	v40 =	vadd.s32 v7, v49  }
0x318: {  	[tilespmem:s10], [sflag:$0x4] =	stream.indirect_vreg.gather [hbm4b:s6+s3], $0x80, v38, vm0, $0xb8;
	[tilespmem:$0x8500] =	vst v63  }
0x319: {  	s2 =	sld [smem:$0x7DC];
	v52 =	vperm.xlane v37, v22;
	v51 =	vadd.s32 v7, v50  }
0x31a: {  	[tilespmem:s11], [sflag:$0x4] =	stream.indirect_vreg.gather [hbm4b:s6+s3], $0x80, v39, vm0, $0xb8;
	[tilespmem:$0x8500] =	vst v63  }
0x31b: {  	v54 =	vperm.xlane v37, v10;
	v53 =	vadd.s32 v7, v52;
	s11 =	sld [smem:$0x7DD]  }
0x31c: {  	[tilespmem:s2], [sflag:$0x4] =	stream.indirect_vreg.gather [hbm4b:s6+s3], $0x80, v40, vm0, $0xb8;
	[tilespmem:$0x8500] =	vst v63  }
0x31d: {  	v56 =	vperm.xlane v37, v11;
	v55 =	vadd.s32 v7, v54;
	s2 =	sld [smem:$0x7DE]  }
0x31e: {  	[tilespmem:s11], [sflag:$0x4] =	stream.indirect_vreg.gather [hbm4b:s6+s3], $0x80, v51, vm0, $0xb8;
	[tilespmem:$0x8500] =	vst v63  }
0x31f: {  	v58 =	vperm.xlane v37, v4;
	v57 =	vadd.s32 v7, v56;
	s11 =	sld [smem:$0x7DF]  }
0x320: {  	[tilespmem:s2], [sflag:$0x4] =	stream.indirect_vreg.gather [hbm4b:s6+s3], $0x80, v53, vm0, $0xb8;
	[tilespmem:$0x8500] =	vst v63  }
0x321: {  	v60 =	vperm.xlane v37, v12;
	v59 =	vadd.s32 v7, v58;
	s2 =	sld [smem:$0x7E0]  }
0x322: {  	[tilespmem:s11], [sflag:$0x4] =	stream.indirect_vreg.gather [hbm4b:s6+s3], $0x80, v55, vm0, $0xb8;
	[tilespmem:$0x8500] =	vst v63  }
0x323: {  	v62 =	vperm.xlane v37, v13;
	v61 =	vadd.s32 v7, v60;
	s11 =	sld [smem:$0x7E1]  }
0x324: {  	[tilespmem:s2], [sflag:$0x4] =	stream.indirect_vreg.gather [hbm4b:s6+s3], $0x80, v57, vm0, $0xb8;
	[tilespmem:$0x8500] =	vst v63  }
0x325: {  	v44 =	vperm.xlane v37, v14;
	v63 =	vadd.s32 v7, v62;
	s2 =	sld [smem:$0x7E2]  }
0x326: {  	[tilespmem:s11], [sflag:$0x4] =	stream.indirect_vreg.gather [hbm4b:s6+s3], $0x80, v59, vm0, $0xb8;
	[tilespmem:$0x8500] =	vst v63  }
0x327: {  	v46 =	vperm.xlane v37, v15;
	v45 =	vadd.s32 v7, v44;
	s11 =	sld [smem:$0x7E3]  }
0x328: {  	[tilespmem:s2], [sflag:$0x4] =	stream.indirect_vreg.gather [hbm4b:s6+s3], $0x80, v61, vm0, $0xb8;
	[tilespmem:$0x8500] =	vst v63  }
0x329: {  	v47 =	vadd.s32 v7, v46;
	v48 =	vperm.xlane v37, v17;
	s2 =	sld [smem:$0x7E4]  }
0x32a: {  	[tilespmem:s11], [sflag:$0x4] =	stream.indirect_vreg.gather [hbm4b:s6+s3], $0x80, v63, vm0, $0xb8;
	[tilespmem:$0x8500] =	vst v63  }
0x32b: {  	v50 =	vperm.xlane v37, v18;
	v49 =	vadd.s32 v7, v48;
	s11 =	sld [smem:$0x7E5]  }
0x32c: {  	[tilespmem:s2], [sflag:$0x4] =	stream.indirect_vreg.gather [hbm4b:s6+s3], $0x80, v45, vm0, $0xb8;
	[tilespmem:$0x8500] =	vst v63  }
0x32d: {  	v52 =	vperm.xlane v37, v19;
	v51 =	vadd.s32 v7, v50;
	s2 =	sld [smem:$0x7E6]  }
0x32e: {  	[tilespmem:s11], [sflag:$0x4] =	stream.indirect_vreg.gather [hbm4b:s6+s3], $0x80, v47, vm0, $0xb8;
	[tilespmem:$0x8500] =	vst v63  }
0x32f: {  	v37 =	vperm.xlane v37, v20;
	v53 =	vadd.s32 v7, v52;
	s11 =	sld [smem:$0x7E7]  }
0x330: {  	[tilespmem:s2], [sflag:$0x4] =	stream.indirect_vreg.gather [hbm4b:s6+s3], $0x80, v49, vm0, $0xb8;
	[tilespmem:$0x8500] =	vst v63  }
0x331: {  	v37 =	vadd.s32 v7, v37;
	s2 =	sld [smem:$0x7E8]  }
0x332: {  	[tilespmem:s11], [sflag:$0x4] =	stream.indirect_vreg.gather [hbm4b:s6+s3], $0x80, v51, vm0, $0xb8;
	[tilespmem:$0x8500] =	vst v63  }
0x333: {  	s11 =	sld [smem:$0x7E9]  }
0x334: {  	[tilespmem:s2], [sflag:$0x4] =	stream.indirect_vreg.gather [hbm4b:s6+s3], $0x80, v53, vm0, $0xb8;
	[tilespmem:$0x8500] =	vst v63  }
0x335: {  	_ = 	snop  }
0x336: {  	[tilespmem:s11], [sflag:$0x4] =	stream.indirect_vreg.gather [hbm4b:s6+s3], $0x80, v37, vm0, $0xb8;
	[tilespmem:$0x8500] =	vst v63  }
0x337: {  	v37 =	vld [tilespmem:$0x2A0];
	_ =	sdelay $0x4  }
0x338: {  	v54 =	vshll.u32 v37, $0x2  }
0x339: {  	v37 =	vand.u32 $0x7, v37;
	v38 =	vand.u32 $0xFFFFFFE0, v54  }
0x33a: {  	v37 =	vor.u32 v37, v38  }
0x33b: {  	v38 =	vperm.xlane v37, v6;
	_ =	sdelay $0x1  }
0x33c: {  	v55 =	vperm.xlane v37, v8;
	v38 =	vadd.s32 v7, v38;
	_ =	sdelay $0x1  }
0x33d: {  	s10 =	sld [smem:$0x7EA];
	v56 =	vperm.xlane v37, v5;
	v39 =	vadd.s32 v7, v55;
	_ =	sdelay $0x1  }
0x33e: {  	s11 =	sld [smem:$0x7EB];
	v57 =	vperm.xlane v37, v9;
	v40 =	vadd.s32 v7, v56  }
0x33f: {  	[tilespmem:s10], [sflag:$0x4] =	stream.indirect_vreg.gather [hbm4b:s6+s3], $0x80, v38, vm0, $0xb8;
	[tilespmem:$0x8500] =	vst v63  }
0x340: {  	s2 =	sld [smem:$0x7EC];
	v59 =	vperm.xlane v37, v22;
	v58 =	vadd.s32 v7, v57  }
0x341: {  	[tilespmem:s11], [sflag:$0x4] =	stream.indirect_vreg.gather [hbm4b:s6+s3], $0x80, v39, vm0, $0xb8;
	[tilespmem:$0x8500] =	vst v63  }
0x342: {  	v61 =	vperm.xlane v37, v10;
	v60 =	vadd.s32 v7, v59;
	s11 =	sld [smem:$0x7ED]  }
0x343: {  	[tilespmem:s2], [sflag:$0x4] =	stream.indirect_vreg.gather [hbm4b:s6+s3], $0x80, v40, vm0, $0xb8;
	[tilespmem:$0x8500] =	vst v63  }
0x344: {  	v63 =	vperm.xlane v37, v11;
	v62 =	vadd.s32 v7, v61;
	s2 =	sld [smem:$0x7EE]  }
0x345: {  	[tilespmem:s11], [sflag:$0x4] =	stream.indirect_vreg.gather [hbm4b:s6+s3], $0x80, v58, vm0, $0xb8;
	[tilespmem:$0x8500] =	vst v63  }
0x346: {  	v45 =	vperm.xlane v37, v4;
	v44 =	vadd.s32 v7, v63;
	s11 =	sld [smem:$0x7EF]  }
0x347: {  	[tilespmem:s2], [sflag:$0x4] =	stream.indirect_vreg.gather [hbm4b:s6+s3], $0x80, v60, vm0, $0xb8;
	[tilespmem:$0x8500] =	vst v63  }
0x348: {  	v47 =	vperm.xlane v37, v12;
	v46 =	vadd.s32 v7, v45;
	s2 =	sld [smem:$0x7F0]  }
0x349: {  	[tilespmem:s11], [sflag:$0x4] =	stream.indirect_vreg.gather [hbm4b:s6+s3], $0x80, v62, vm0, $0xb8;
	[tilespmem:$0x8500] =	vst v63  }
0x34a: {  	v49 =	vperm.xlane v37, v13;
	v48 =	vadd.s32 v7, v47;
	s11 =	sld [smem:$0x7F1]  }
0x34b: {  	[tilespmem:s2], [sflag:$0x4] =	stream.indirect_vreg.gather [hbm4b:s6+s3], $0x80, v44, vm0, $0xb8;
	[tilespmem:$0x8500] =	vst v63  }
0x34c: {  	v51 =	vperm.xlane v37, v14;
	v50 =	vadd.s32 v7, v49;
	s2 =	sld [smem:$0x7F2]  }
0x34d: {  	[tilespmem:s11], [sflag:$0x4] =	stream.indirect_vreg.gather [hbm4b:s6+s3], $0x80, v46, vm0, $0xb8;
	[tilespmem:$0x8500] =	vst v63  }
0x34e: {  	v53 =	vperm.xlane v37, v15;
	v52 =	vadd.s32 v7, v51;
	s11 =	sld [smem:$0x7F3]  }
0x34f: {  	[tilespmem:s2], [sflag:$0x4] =	stream.indirect_vreg.gather [hbm4b:s6+s3], $0x80, v48, vm0, $0xb8;
	[tilespmem:$0x8500] =	vst v63  }
0x350: {  	v54 =	vadd.s32 v7, v53;
	v55 =	vperm.xlane v37, v17;
	s2 =	sld [smem:$0x7F4]  }
0x351: {  	[tilespmem:s11], [sflag:$0x4] =	stream.indirect_vreg.gather [hbm4b:s6+s3], $0x80, v50, vm0, $0xb8;
	[tilespmem:$0x8500] =	vst v63  }
0x352: {  	v57 =	vperm.xlane v37, v18;
	v56 =	vadd.s32 v7, v55;
	s11 =	sld [smem:$0x7F5]  }
0x353: {  	[tilespmem:s2], [sflag:$0x4] =	stream.indirect_vreg.gather [hbm4b:s6+s3], $0x80, v52, vm0, $0xb8;
	[tilespmem:$0x8500] =	vst v63  }
0x354: {  	v59 =	vperm.xlane v37, v19;
	v58 =	vadd.s32 v7, v57;
	s2 =	sld [smem:$0x7F6]  }
0x355: {  	[tilespmem:s11], [sflag:$0x4] =	stream.indirect_vreg.gather [hbm4b:s6+s3], $0x80, v54, vm0, $0xb8;
	[tilespmem:$0x8500] =	vst v63  }
0x356: {  	v37 =	vperm.xlane v37, v20;
	v60 =	vadd.s32 v7, v59;
	s11 =	sld [smem:$0x7F7]  }
0x357: {  	[tilespmem:s2], [sflag:$0x4] =	stream.indirect_vreg.gather [hbm4b:s6+s3], $0x80, v56, vm0, $0xb8;
	[tilespmem:$0x8500] =	vst v63  }
0x358: {  	v37 =	vadd.s32 v7, v37;
	s2 =	sld [smem:$0x7F8]  }
0x359: {  	[tilespmem:s11], [sflag:$0x4] =	stream.indirect_vreg.gather [hbm4b:s6+s3], $0x80, v58, vm0, $0xb8;
	[tilespmem:$0x8500] =	vst v63  }
0x35a: {  	s11 =	sld [smem:$0x7F9]  }
0x35b: {  	[tilespmem:s2], [sflag:$0x4] =	stream.indirect_vreg.gather [hbm4b:s6+s3], $0x80, v60, vm0, $0xb8;
	[tilespmem:$0x8500] =	vst v63  }
0x35c: {  	_ = 	snop  }
0x35d: {  	[tilespmem:s11], [sflag:$0x4] =	stream.indirect_vreg.gather [hbm4b:s6+s3], $0x80, v37, vm0, $0xb8;
	[tilespmem:$0x8500] =	vst v63  }
0x35e: {  	v37 =	vld [tilespmem:$0x2B0];
	_ =	sdelay $0x4  }
0x35f: {  	v61 =	vshll.u32 v37, $0x2  }
0x360: {  	v37 =	vand.u32 $0x7, v37;
	v38 =	vand.u32 $0xFFFFFFE0, v61  }
0x361: {  	v37 =	vor.u32 v37, v38  }
0x362: {  	v38 =	vperm.xlane v37, v6;
	_ =	sdelay $0x1  }
0x363: {  	v62 =	vperm.xlane v37, v8;
	v38 =	vadd.s32 v7, v38;
	_ =	sdelay $0x1  }
0x364: {  	s10 =	sld [smem:$0x7FA];
	v63 =	vperm.xlane v37, v5;
	v39 =	vadd.s32 v7, v62;
	_ =	sdelay $0x1  }
0x365: {  	s11 =	sld [smem:$0x7FB];
	v44 =	vperm.xlane v37, v9;
	v40 =	vadd.s32 v7, v63  }
0x366: {  	[tilespmem:s10], [sflag:$0x4] =	stream.indirect_vreg.gather [hbm4b:s6+s3], $0x80, v38, vm0, $0xb8;
	[tilespmem:$0x8500] =	vst v63  }
0x367: {  	s2 =	sld [smem:$0x7FC];
	v46 =	vperm.xlane v37, v22;
	v45 =	vadd.s32 v7, v44  }
0x368: {  	[tilespmem:s11], [sflag:$0x4] =	stream.indirect_vreg.gather [hbm4b:s6+s3], $0x80, v39, vm0, $0xb8;
	[tilespmem:$0x8500] =	vst v63  }
0x369: {  	v48 =	vperm.xlane v37, v10;
	v47 =	vadd.s32 v7, v46;
	s11 =	sld [smem:$0x7FD]  }
0x36a: {  	[tilespmem:s2], [sflag:$0x4] =	stream.indirect_vreg.gather [hbm4b:s6+s3], $0x80, v40, vm0, $0xb8;
	[tilespmem:$0x8500] =	vst v63  }
0x36b: {  	v50 =	vperm.xlane v37, v11;
	v49 =	vadd.s32 v7, v48  }
0x36c: {  	[tilespmem:s11], [sflag:$0x4] =	stream.indirect_vreg.gather [hbm4b:s6+s3], $0x80, v45, vm0, $0xb8;
	[tilespmem:$0x8500] =	vst v63  }
0x36d: {  	v52 =	vperm.xlane v37, v4;
	v51 =	vadd.s32 v7, v50;
	s11 =	simm.s32 $0x7F00  }
0x36e: {  	[tilespmem:s11], [sflag:$0x4] =	stream.indirect_vreg.gather [hbm4b:s6+s3], $0x80, v47, vm0, $0xb8;
	[tilespmem:$0x8500] =	vst v63  }
0x36f: {  	v54 =	vperm.xlane v37, v12;
	v53 =	vadd.s32 v7, v52;
	s10 =	simm.s32 $0x7F80  }
0x370: {  	[tilespmem:s10], [sflag:$0x4] =	stream.indirect_vreg.gather [hbm4b:s6+s3], $0x80, v49, vm0, $0xb8;
	[tilespmem:$0x8500] =	vst v63  }
0x371: {  	v56 =	vperm.xlane v37, v13;
	v55 =	vadd.s32 v7, v54  }
0x372: {  	[tilespmem:s12], [sflag:$0x4] =	stream.indirect_vreg.gather [hbm4b:s6+s3], $0x80, v51, vm0, $0xb8;
	[tilespmem:$0x8500] =	vst v63  }
0x373: {  	v58 =	vperm.xlane v37, v14;
	v57 =	vadd.s32 v7, v56  }
0x374: {  	[tilespmem:s13], [sflag:$0x4] =	stream.indirect_vreg.gather [hbm4b:s6+s3], $0x80, v53, vm0, $0xb8;
	[tilespmem:$0x8500] =	vst v63  }
0x375: {  	v60 =	vperm.xlane v37, v15;
	v59 =	vadd.s32 v7, v58  }
0x376: {  	[tilespmem:s14], [sflag:$0x4] =	stream.indirect_vreg.gather [hbm4b:s6+s3], $0x80, v55, vm0, $0xb8;
	[tilespmem:$0x8500] =	vst v63  }
0x377: {  	v61 =	vadd.s32 v7, v60;
	v62 =	vperm.xlane v37, v17  }
0x378: {  	[tilespmem:s15], [sflag:$0x4] =	stream.indirect_vreg.gather [hbm4b:s6+s3], $0x80, v57, vm0, $0xb8;
	[tilespmem:$0x8500] =	vst v63  }
0x379: {  	v44 =	vperm.xlane v37, v18;
	v63 =	vadd.s32 v7, v62  }
0x37a: {  	[tilespmem:s16], [sflag:$0x4] =	stream.indirect_vreg.gather [hbm4b:s6+s3], $0x80, v59, vm0, $0xb8;
	[tilespmem:$0x8500] =	vst v63  }
0x37b: {  	v46 =	vperm.xlane v37, v19;
	v45 =	vadd.s32 v7, v44  }
0x37c: {  	[tilespmem:s17], [sflag:$0x4] =	stream.indirect_vreg.gather [hbm4b:s6+s3], $0x80, v61, vm0, $0xb8;
	[tilespmem:$0x8500] =	vst v63  }
0x37d: {  	v37 =	vperm.xlane v37, v20;
	v47 =	vadd.s32 v7, v46  }
0x37e: {  	[tilespmem:s18], [sflag:$0x4] =	stream.indirect_vreg.gather [hbm4b:s6+s3], $0x80, v63, vm0, $0xb8;
	[tilespmem:$0x8500] =	vst v63  }
0x37f: {  	v37 =	vadd.s32 v7, v37  }
0x380: {  	[tilespmem:s19], [sflag:$0x4] =	stream.indirect_vreg.gather [hbm4b:s6+s3], $0x80, v45, vm0, $0xb8;
	[tilespmem:$0x8500] =	vst v63  }
0x381: {  	_ = 	snop  }
0x382: {  	[tilespmem:s20], [sflag:$0x4] =	stream.indirect_vreg.gather [hbm4b:s6+s3], $0x80, v47, vm0, $0xb8;
	[tilespmem:$0x8500] =	vst v63  }
0x383: {  	_ = 	snop  }
0x384: {  	[tilespmem:s21], [sflag:$0x4] =	stream.indirect_vreg.gather [hbm4b:s6+s3], $0x80, v37, vm0, $0xb8;
	[tilespmem:$0x8500] =	vst v63  }
0x385: {  	_ =	swait.ge [sflag:s22], $0x80  }
0x386: {  	[sflag:s22] =	ssyncset.done $0x0  }
0x387: {  	[sflag:s22] =	ssyncadd.s32 $0xFFFFFF80  }
0x388: {  	_ =	swait.ge [sflag:s23], $0x2000  }
0x389: {  	[sflag:s23] =	ssyncset.done $0x0  }
0x38a: {  	[sflag:s23] =	ssyncadd.s32 $0xFFFFE000  }
0x38b: {  	v48 =	vld [tilespmem:$0x80];
	_ =	sdelay $0x4  }
0x38c: {  	v49 =	vadd.s32 v16, v48;
	_ =	sdelay $0x4  }
0x38d: {  	v38 =	vld.idx.msk [tilespmem:v49+s9+$0x0], $0xffff  }
0x38e: {  	v50 =	vadd.s32 v21, v48;
	_ =	sdelay $0x3  }
0x38f: {  	[tilespmem:$0x300] =	vst v38  }
0x390: {  	v38 =	vld.idx.msk [tilespmem:v50+s9+$0x0], $0xffff  }
0x391: {  	v51 =	vadd.s32 v23, v48;
	_ =	sdelay $0x3  }
0x392: {  	[tilespmem:$0x380] =	vst v38  }
0x393: {  	v38 =	vld.idx.msk [tilespmem:v51+s9+$0x0], $0xffff  }
0x394: {  	v37 =	vadd.s32 v24, v48;
	_ =	sdelay $0x3  }
0x395: {  	[tilespmem:$0x400] =	vst v38  }
0x396: {  	v37 =	vld.idx.msk [tilespmem:v37+s9+$0x0], $0xffff;
	_ =	sdelay $0x4  }
0x397: {  	[tilespmem:$0x480] =	vst v37  }
0x398: {  	_ =	swait.ge [sflag:s29], $0x2000  }
0x399: {  	[sflag:s29] =	ssyncset.done $0x0  }
0x39a: {  	[sflag:s29] =	ssyncadd.s32 $0xFFFFE000  }
0x39b: {  	v52 =	vld [tilespmem:$0x90];
	_ =	sdelay $0x4  }
0x39c: {  	v53 =	vadd.s32 v25, v52;
	_ =	sdelay $0x4  }
0x39d: {  	v38 =	vld.idx.msk [tilespmem:v53+s25+$0x0], $0xffff  }
0x39e: {  	v54 =	vadd.s32 v26, v52;
	_ =	sdelay $0x3  }
0x39f: {  	[tilespmem:$0x310] =	vst v38  }
0x3a0: {  	v38 =	vld.idx.msk [tilespmem:v54+s25+$0x0], $0xffff  }
0x3a1: {  	v55 =	vadd.s32 v27, v52;
	_ =	sdelay $0x3  }
0x3a2: {  	[tilespmem:$0x390] =	vst v38  }
0x3a3: {  	v38 =	vld.idx.msk [tilespmem:v55+s25+$0x0], $0xffff  }
0x3a4: {  	v37 =	vadd.s32 v28, v52;
	_ =	sdelay $0x3  }
0x3a5: {  	[tilespmem:$0x410] =	vst v38  }
0x3a6: {  	v37 =	vld.idx.msk [tilespmem:v37+s25+$0x0], $0xffff;
	_ =	sdelay $0x4  }
0x3a7: {  	[tilespmem:$0x490] =	vst v37  }
0x3a8: {  	_ =	swait.ge [sflag:s24], $0x2000  }
0x3a9: {  	[sflag:s24] =	ssyncset.done $0x0  }
0x3aa: {  	[sflag:s24] =	ssyncadd.s32 $0xFFFFE000  }
0x3ab: {  	v56 =	vld [tilespmem:$0xA0];
	_ =	sdelay $0x4  }
0x3ac: {  	v57 =	vadd.s32 v29, v56;
	_ =	sdelay $0x4  }
0x3ad: {  	v38 =	vld.idx.msk [tilespmem:v57+s26+$0x0], $0xffff  }
0x3ae: {  	v58 =	vadd.s32 v30, v56;
	_ =	sdelay $0x3  }
0x3af: {  	[tilespmem:$0x320] =	vst v38  }
0x3b0: {  	v38 =	vld.idx.msk [tilespmem:v58+s26+$0x0], $0xffff  }
0x3b1: {  	v59 =	vadd.s32 v31, v56;
	_ =	sdelay $0x3  }
0x3b2: {  	[tilespmem:$0x3A0] =	vst v38  }
0x3b3: {  	v38 =	vld.idx.msk [tilespmem:v59+s26+$0x0], $0xffff  }
0x3b4: {  	v37 =	vadd.s32 v32, v56;
	_ =	sdelay $0x3  }
0x3b5: {  	[tilespmem:$0x420] =	vst v38  }
0x3b6: {  	v37 =	vld.idx.msk [tilespmem:v37+s26+$0x0], $0xffff;
	_ =	sdelay $0x4  }
0x3b7: {  	[tilespmem:$0x4A0] =	vst v37  }
0x3b8: {  	_ =	swait.ge [sflag:s30], $0x2000  }
0x3b9: {  	[sflag:s30] =	ssyncset.done $0x0  }
0x3ba: {  	[sflag:s30] =	ssyncadd.s32 $0xFFFFE000  }
0x3bb: {  	v60 =	vld [tilespmem:$0xB0];
	_ =	sdelay $0x4  }
0x3bc: {  	v61 =	vadd.s32 v33, v60;
	_ =	sdelay $0x4  }
0x3bd: {  	v38 =	vld.idx.msk [tilespmem:v61+s28+$0x0], $0xffff  }
0x3be: {  	v62 =	vadd.s32 v34, v60;
	_ =	sdelay $0x3  }
0x3bf: {  	[tilespmem:$0x330] =	vst v38  }
0x3c0: {  	v38 =	vld.idx.msk [tilespmem:v62+s28+$0x0], $0xffff  }
0x3c1: {  	v63 =	vadd.s32 v35, v60;
	_ =	sdelay $0x3  }
0x3c2: {  	[tilespmem:$0x3B0] =	vst v38  }
0x3c3: {  	v38 =	vld.idx.msk [tilespmem:v63+s28+$0x0], $0xffff  }
0x3c4: {  	v37 =	vadd.s32 v36, v60;
	_ =	sdelay $0x3  }
0x3c5: {  	[tilespmem:$0x430] =	vst v38  }
0x3c6: {  	v37 =	vld.idx.msk [tilespmem:v37+s28+$0x0], $0xffff;
	_ =	sdelay $0x3  }
0x3c7: {  	p0 =	sne.s32 s7, $0x1  }
.Ltmp0:
0x3c8: {  	s11 =	rddreg [dreg:$0x7];
	[tilespmem:$0x4B0] =	vst v37;
	(pc) =	sbr.rel @p0 .LBB2_1-.Ltmp0, $4  }
0x3c9: {  	[hbm4b:s11+s3] =	stream.linear.scatter [tilespmem:s31], [sflag:$0x7], $0x200, $0x38;
	[tilespmem:$0x8500] =	vst v63  }
0x3ca: {  	_ =	swait.ge [sflag:s1], $0x200  }
0x3cb: {  	[sflag:s1] =	ssyncset.done $0x0  }
0x3cc: {  	s7 =	sadd.s32 $0xFFFFFFFF, s7;
	[sflag:s1] =	ssyncadd.s32 $0xFFFFFE00  }
0x3cd: {  	_ =	sfence.sel $0x180000  }
0x3ce: {  	[bflag:$0x0] =	sbarrier.arrive $0xFFFF  }
0x3cf: {  	_ =	strace $0x90000047  }
0x3d0: {  	s0 =	stileid.u32;
	[bflag:$0x2] =	sbarrier.arrive $0xFFFF  }
0x3d1: {  	p0 =	sne.s32 s0, $0x0;
	s0 =	rddreg [dreg:$0x4]  }
0x3d2: {  	s0 =	sadd.s32 @!p0 $0x100000, s0  }
0x3d3: {  	[sflag:s0] =	ssyncadd.tile.s32 @!p0 $0x1;
	_ =	shalt  }
.Lfunc_end2:
_tile_overlayer_lowered:
.L_overlay_start_2:
0x3d4: {  	(tag) =	ssettag $0x2  }
0x3d5: {  	s0 =	rddreg [dreg:$0x0];
	s2 =	stileid.u32  }
0x3d6: {  	s1 =	rddreg [dreg:$0x1];
	p0 =	sne.s32 s2, $0x0  }
0x3d7: {  	s3 =	rddreg [dreg:$0x2];
	[bflag:$0x3] =	sbarrier.arrive $0xFFFF;
	s2 =	simm.s32 @!p0 $0x1C07  }
0x3d8: {  	[timem:s3], [sflag:s2] =	dma.local @!p0 [hbm:s0], s1  }
0x3d9: {  	s0 =	simm.s32 @!p0 $0x7  }
0x3da: {  	_ =	swait.ge @!p0 [sflag:s0], s1  }
0x3db: {  	s1 =	ssub.s32 @!p0 $0x0, s1;
	[sflag:s0] =	ssyncset.done @!p0 $0x0  }
0x3dc: {  	[sflag:s0] =	ssyncadd.s32 @!p0 s1  }
0x3dd: {  	[bflag:$0x3] =	sbarrier.arrive $0xFFFF  }
0x3de: {  	_ =	shalt  }

</sc_bundles>
